<compile_context>
chip_gen: v7x
topology: tpu7x:2x2x1
jax: 0.10.2.dev20260603
libtpu: 0.0.44.dev20260713+nightly
codegen_flags: <defaults>
</compile_context>

<pallas_src>
import functools

import jax
import jax.numpy as jnp
from jax import lax
from jax.experimental import pallas as pl
from jax.experimental.pallas import tpu as pltpu
from jax.experimental.pallas import tpu_sc as plsc

VOCAB = 1000000
BATCH = 16384
M = 100
VP = 1001472

NUM_WORKERS = 32
BPW = BATCH // NUM_WORKERS
SEG = VP // 16
NCH = 4
RB = BPW // NCH
RGROUPS = RB // 16

_mesh = plsc.VectorSubcoreMesh(core_axis_name="c", subcore_axis_name="s")


@functools.partial(
    pl.kernel,
    mesh=_mesh,
    compiler_params=pltpu.CompilerParams(needs_layout_passes=False),
    out_type=jax.ShapeDtypeStruct((BATCH,), jnp.float32),
    scratch_types=[
        pltpu.VMEM((RB * M,), jnp.int32),
        pltpu.VMEM((RB * M,), jnp.int32),
        pltpu.VMEM((RB * M,), jnp.float32),
        pltpu.VMEM((RB * M,), jnp.float32),
        pltpu.VMEM((BPW,), jnp.float32),
        pltpu.VMEM_SHARED((VP,), jnp.float32),
        pltpu.SemaphoreType.DMA,
        pltpu.SemaphoreType.DMA,
        pltpu.SemaphoreType.DMA,
        pltpu.SemaphoreType.DMA,
    ],
)
def _emb_sum(
    idx_hbm, tbl_hbm, out_hbm,
    idx_v0, idx_v1, vals_v0, vals_v1, out_v, tbl_sh,
    si0, si1, sg0, sg1,
):
    wid = lax.axis_index("s") * 2 + lax.axis_index("c")
    sid = lax.axis_index("s")
    idx_bufs, vals_bufs = [idx_v0, idx_v1], [vals_v0, vals_v1]
    isems, gsems = [si0, si1], [sg0, sg1]

    def idx_dma(c):
        return pltpu.async_copy(
            idx_hbm.at[wid * NCH + c], idx_bufs[c % 2], isems[c % 2]
        )

    idx_cps = [idx_dma(0)]
    pltpu.sync_copy(
        tbl_hbm.at[pl.ds(sid * SEG, SEG)], tbl_sh.at[pl.ds(sid * SEG, SEG)]
    )
    plsc.subcore_barrier()

    idx_cps[0].wait()
    gat_cps = [
        pltpu.async_copy(tbl_sh.at[idx_bufs[0]], vals_bufs[0], gsems[0])
    ]
    idx_cps.append(idx_dma(1))

    row_iota = lax.iota(jnp.int32, 16) * M
    row_base = [g * 16 * M + row_iota for g in range(RGROUPS)]

    for c in range(NCH):
        cb, nb = c % 2, (c + 1) % 2
        gat_cps[c].wait()
        if c + 1 < NCH:
            idx_cps[c + 1].wait()
            gat_cps.append(
                pltpu.async_copy(
                    tbl_sh.at[idx_bufs[nb]], vals_bufs[nb], gsems[nb]
                )
            )
            if c + 2 < NCH:
                idx_cps.append(idx_dma(c + 2))

        vals_v = vals_bufs[cb]

        def red_body(m, accs):
            return tuple(
                accs[g] + plsc.load_gather(vals_v, [row_base[g] + m])
                for g in range(RGROUPS)
            )

        zero = jnp.zeros((16,), jnp.float32)
        accs = lax.fori_loop(0, M, red_body, (zero,) * RGROUPS)
        for g in range(RGROUPS):
            out_v[pl.ds(c * RB + g * 16, 16)] = accs[g]

    pltpu.sync_copy(out_v, out_hbm.at[pl.ds(wid * BPW, BPW)])


def kernel(inputs, linear_weights):
    idx = inputs.astype(jnp.int32).reshape(BATCH // RB, RB * M)
    tbl = jnp.pad(linear_weights, ((1, VP - VOCAB - 1), (0, 0))).reshape(VP)
    out = _emb_sum(idx, tbl)
    return out.reshape(BATCH, 1)

# --- scband reference (transcript-rebuilt; emitter-appended) ---
"""Pipeline reference for scband-sparse-linear-88364657148477 (READ-ONLY COPY).

The authoritative reference and input builder live on the scoring server;
editing this copy changes nothing except your own understanding.
"""

import jax, jax.numpy as jnp
import numpy as np

VOCAB = 1000000
BATCH = 16384
M = 100

def setup_inputs(seed: int = 0) -> dict:
    key = jax.random.key(seed)
    k_idx, k_w = jax.random.split(key)
    # Module subtracts 1 from inputs (1-indexed vocab), so draw indices in [1, VOCAB].
    inputs = jax.random.randint(k_idx, (BATCH, M), 1, VOCAB + 1, dtype=jnp.int64)
    # Embedding table of shape [vocab, 1] (Keras Embedding default uniform init).
    linear_weights = jax.random.uniform(k_w, (VOCAB, 1), dtype=jnp.float32, minval=-0.05, maxval=0.05)
    return {"inputs": inputs, "linear_weights": linear_weights}

def reference(inputs, linear_weights):
    # gather: [B, M, 1]
    emb = jnp.take(linear_weights, inputs - 1, axis=0)
    # sum over the field dimension -> [B, 1]
    return jnp.sum(emb, axis=1)

if __name__ == "__main__":
    import jax
    _d = setup_inputs()
    print(jax.jit(kernel)(*tuple(_d.values())))

</pallas_src>

<mosaic_0001>
#map = affine_map<(d0, d1) -> (0, 0)>
#map1 = affine_map<(d0, d1) -> (0)>
module attributes {stable_mosaic.version = 14 : i64} {
  func.func @_emb_sum(%arg0: i32, %arg1: i32, %arg2: memref<128x12800xi32, #tpu.memory_space<hbm>>, %arg3: memref<1001472xf32, #tpu.memory_space<hbm>>, %arg4: memref<16384xf32, #tpu.memory_space<hbm>>, %arg5: memref<12800xi32, #tpu.memory_space<vmem>>, %arg6: memref<12800xi32, #tpu.memory_space<vmem>>, %arg7: memref<12800xf32, #tpu.memory_space<vmem>>, %arg8: memref<12800xf32, #tpu.memory_space<vmem>>, %arg9: memref<512xf32, #tpu.memory_space<vmem>>, %arg10: memref<1001472xf32, #tpu.memory_space<vmem_shared>>, %arg11: memref<!tpu.dma_semaphore, #tpu.memory_space<semaphore_mem>>, %arg12: memref<!tpu.dma_semaphore, #tpu.memory_space<semaphore_mem>>, %arg13: memref<!tpu.dma_semaphore, #tpu.memory_space<semaphore_mem>>, %arg14: memref<!tpu.dma_semaphore, #tpu.memory_space<semaphore_mem>>) attributes {dimension_semantics = [#tpu.dimension_semantics<core_parallel>, #tpu.dimension_semantics<subcore_parallel>], iteration_bounds = array<i64: 2, 16>, scalar_prefetch = 0 : i64, scratch_operands = 10 : i64, tpu.core_type = #tpu.core_type<sc_vector_subcore>, window_params = [{transform_indices = #map}, {transform_indices = #map1}, {transform_indices = #map1}]} {
    %mul3A = arith.constant 2 : i32
    %mul3A_0 = arith.muli %arg1, %mul3A : i32
    %add3A = arith.addi %mul3A_0, %arg0 : i32
    %mul3A_1 = arith.constant 4 : i32
    %mul3A_2 = arith.muli %add3A, %mul3A_1 : i32
    %add3A_3 = arith.constant 0 : i32
    %add3A_4 = arith.addi %mul3A_2, %add3A_3 : i32
    %dma_start3A = arith.constant 0 : i32
    %dma_start3A_5 = tpu.memref_slice %arg2[%add3A_4, %dma_start3A] : memref<128x12800xi32, #tpu.memory_space<hbm>> -> memref<1x12800xi32, #tpu.memory_space<hbm>>
    %dma_start3A_6 = tpu.memref_squeeze %dma_start3A_5 : memref<1x12800xi32, #tpu.memory_space<hbm>> -> memref<12800xi32, #tpu.memory_space<hbm>>
    %dma_start3A_7 = arith.constant 0 : i32
    %dma_start3A_8 = tpu.memref_slice %arg2[%add3A_4, %dma_start3A_7] : memref<128x12800xi32, #tpu.memory_space<hbm>> -> memref<1x12800xi32, #tpu.memory_space<hbm>>
    %dma_start3A_9 = tpu.memref_squeeze %dma_start3A_8 : memref<1x12800xi32, #tpu.memory_space<hbm>> -> memref<12800xi32, #tpu.memory_space<hbm>>
    tpu.enqueue_dma source(%dma_start3A_9 : memref<12800xi32, #tpu.memory_space<hbm>>) target(%arg5 : memref<12800xi32, #tpu.memory_space<vmem>>) target_semaphore(%arg11 : memref<!tpu.dma_semaphore, #tpu.memory_space<semaphore_mem>>)
    %mul3A_10 = arith.constant 62592 : i32
    %mul3A_11 = arith.muli %arg1, %mul3A_10 : i32
    %mul3A_12 = arith.constant 62592 : i32
    %mul3A_13 = arith.muli %arg1, %mul3A_12 : i32
    "tpu.region"() ({
      %run_scoped3A = tpu.sem_alloc : memref<!tpu.dma_semaphore, #tpu.memory_space<semaphore_mem>>
      %dma_start3A_205 = tpu.memref_slice %arg10[%mul3A_13] : memref<1001472xf32, #tpu.memory_space<vmem_shared>> -> memref<62592xf32, #tpu.memory_space<vmem_shared>>
      %dma_start3A_206 = tpu.memref_slice %arg3[%mul3A_11] : memref<1001472xf32, #tpu.memory_space<hbm>> -> memref<62592xf32, #tpu.memory_space<hbm>>
      tpu.enqueue_dma source(%dma_start3A_206 : memref<62592xf32, #tpu.memory_space<hbm>>) target(%dma_start3A_205 : memref<62592xf32, #tpu.memory_space<vmem_shared>>) target_semaphore(%run_scoped3A : memref<!tpu.dma_semaphore, #tpu.memory_space<semaphore_mem>>)
      %dma_wait3A_207 = tpu.memref_slice %arg10[%mul3A_13] : memref<1001472xf32, #tpu.memory_space<vmem_shared>> -> memref<62592xf32, #tpu.memory_space<vmem_shared>>
      %dma_wait3A_208 = tpu.memref_slice %arg3[%mul3A_11] : memref<1001472xf32, #tpu.memory_space<hbm>> -> memref<62592xf32, #tpu.memory_space<hbm>>
      tpu.wait_dma2 semaphore(%run_scoped3A : memref<!tpu.dma_semaphore, #tpu.memory_space<semaphore_mem>>) src(%dma_wait3A_208 : memref<62592xf32, #tpu.memory_space<hbm>>) dst(%dma_wait3A_207 : memref<62592xf32, #tpu.memory_space<vmem_shared>>)
      tpu.yield
    }) : () -> ()
    %barrier3A = arith.constant 0 : index
    tpu.barrier barrier_id(%barrier3A)
    %dma_wait3A = arith.constant 0 : i32
    %dma_wait3A_14 = tpu.memref_slice %arg2[%add3A_4, %dma_wait3A] : memref<128x12800xi32, #tpu.memory_space<hbm>> -> memref<1x12800xi32, #tpu.memory_space<hbm>>
    %dma_wait3A_15 = tpu.memref_squeeze %dma_wait3A_14 : memref<1x12800xi32, #tpu.memory_space<hbm>> -> memref<12800xi32, #tpu.memory_space<hbm>>
    %dma_wait3A_16 = arith.constant 0 : i32
    %dma_wait3A_17 = tpu.memref_slice %arg2[%add3A_4, %dma_wait3A_16] : memref<128x12800xi32, #tpu.memory_space<hbm>> -> memref<1x12800xi32, #tpu.memory_space<hbm>>
    %dma_wait3A_18 = tpu.memref_squeeze %dma_wait3A_17 : memref<1x12800xi32, #tpu.memory_space<hbm>> -> memref<12800xi32, #tpu.memory_space<hbm>>
    tpu.wait_dma2 semaphore(%arg11 : memref<!tpu.dma_semaphore, #tpu.memory_space<semaphore_mem>>) src(%dma_wait3A_18 : memref<12800xi32, #tpu.memory_space<hbm>>) dst(%arg5 : memref<12800xi32, #tpu.memory_space<vmem>>)
    %dma_start3A_19 = arith.constant 0 : i32
    %dma_start3A_20 = tpu.memref_slice %arg10[%dma_start3A_19] : memref<1001472xf32, #tpu.memory_space<vmem_shared>> -> memref<1001472xf32, #tpu.memory_space<vmem_shared>>
    tpu.enqueue_indirect_dma source(%dma_start3A_20 : memref<1001472xf32, #tpu.memory_space<vmem_shared>>) target(%arg7 : memref<12800xf32, #tpu.memory_space<vmem>>) offsets(%arg5 : memref<12800xi32, #tpu.memory_space<vmem>>) semaphore(%arg13 : memref<!tpu.dma_semaphore, #tpu.memory_space<semaphore_mem>>)
    %mul3A_21 = arith.constant 4 : i32
    %mul3A_22 = arith.muli %add3A, %mul3A_21 : i32
    %add3A_23 = arith.constant 1 : i32
    %add3A_24 = arith.addi %mul3A_22, %add3A_23 : i32
    %dma_start3A_25 = arith.constant 0 : i32
    %dma_start3A_26 = tpu.memref_slice %arg2[%add3A_24, %dma_start3A_25] : memref<128x12800xi32, #tpu.memory_space<hbm>> -> memref<1x12800xi32, #tpu.memory_space<hbm>>
    %dma_start3A_27 = tpu.memref_squeeze %dma_start3A_26 : memref<1x12800xi32, #tpu.memory_space<hbm>> -> memref<12800xi32, #tpu.memory_space<hbm>>
    %dma_start3A_28 = arith.constant 0 : i32
    %dma_start3A_29 = tpu.memref_slice %arg2[%add3A_24, %dma_start3A_28] : memref<128x12800xi32, #tpu.memory_space<hbm>> -> memref<1x12800xi32, #tpu.memory_space<hbm>>
    %dma_start3A_30 = tpu.memref_squeeze %dma_start3A_29 : memref<1x12800xi32, #tpu.memory_space<hbm>> -> memref<12800xi32, #tpu.memory_space<hbm>>
    tpu.enqueue_dma source(%dma_start3A_30 : memref<12800xi32, #tpu.memory_space<hbm>>) target(%arg6 : memref<12800xi32, #tpu.memory_space<vmem>>) target_semaphore(%arg12 : memref<!tpu.dma_semaphore, #tpu.memory_space<semaphore_mem>>)
    %iota3A = tpu.iota {dimensions = array<i32: 0>} : vector<16xi32>
    %mul3A_31 = arith.constant 100 : i32
    %mul3A_32 = vector.broadcast %mul3A_31 : i32 to vector<16xi32>
    %mul3A_33 = arith.muli %iota3A, %mul3A_32 : vector<16xi32>
    %add3A_34 = arith.constant 0 : i32
    %add3A_35 = vector.broadcast %add3A_34 : i32 to vector<16xi32>
    %add3A_36 = arith.addi %add3A_35, %mul3A_33 : vector<16xi32>
    %add3A_37 = arith.constant 1600 : i32
    %add3A_38 = vector.broadcast %add3A_37 : i32 to vector<16xi32>
    %add3A_39 = arith.addi %add3A_38, %mul3A_33 : vector<16xi32>
    %add3A_40 = arith.constant 3200 : i32
    %add3A_41 = vector.broadcast %add3A_40 : i32 to vector<16xi32>
    %add3A_42 = arith.addi %add3A_41, %mul3A_33 : vector<16xi32>
    %add3A_43 = arith.constant 4800 : i32
    %add3A_44 = vector.broadcast %add3A_43 : i32 to vector<16xi32>
    %add3A_45 = arith.addi %add3A_44, %mul3A_33 : vector<16xi32>
    %add3A_46 = arith.constant 6400 : i32
    %add3A_47 = vector.broadcast %add3A_46 : i32 to vector<16xi32>
    %add3A_48 = arith.addi %add3A_47, %mul3A_33 : vector<16xi32>
    %add3A_49 = arith.constant 8000 : i32
    %add3A_50 = vector.broadcast %add3A_49 : i32 to vector<16xi32>
    %add3A_51 = arith.addi %add3A_50, %mul3A_33 : vector<16xi32>
    %add3A_52 = arith.constant 9600 : i32
    %add3A_53 = vector.broadcast %add3A_52 : i32 to vector<16xi32>
    %add3A_54 = arith.addi %add3A_53, %mul3A_33 : vector<16xi32>
    %add3A_55 = arith.constant 11200 : i32
    %add3A_56 = vector.broadcast %add3A_55 : i32 to vector<16xi32>
    %add3A_57 = arith.addi %add3A_56, %mul3A_33 : vector<16xi32>
    %dma_wait3A_58 = arith.constant 0 : i32
    %dma_wait3A_59 = tpu.memref_slice %arg10[%dma_wait3A_58] : memref<1001472xf32, #tpu.memory_space<vmem_shared>> -> memref<1001472xf32, #tpu.memory_space<vmem_shared>>
    tpu.wait_indirect_dma semaphore(%arg13 : memref<!tpu.dma_semaphore, #tpu.memory_space<semaphore_mem>>) src(%dma_wait3A_59 : memref<1001472xf32, #tpu.memory_space<vmem_shared>>) dst(%arg7 : memref<12800xf32, #tpu.memory_space<vmem>>)
    %dma_wait3A_60 = arith.constant 0 : i32
    %dma_wait3A_61 = tpu.memref_slice %arg2[%add3A_24, %dma_wait3A_60] : memref<128x12800xi32, #tpu.memory_space<hbm>> -> memref<1x12800xi32, #tpu.memory_space<hbm>>
    %dma_wait3A_62 = tpu.memref_squeeze %dma_wait3A_61 : memref<1x12800xi32, #tpu.memory_space<hbm>> -> memref<12800xi32, #tpu.memory_space<hbm>>
    %dma_wait3A_63 = arith.constant 0 : i32
    %dma_wait3A_64 = tpu.memref_slice %arg2[%add3A_24, %dma_wait3A_63] : memref<128x12800xi32, #tpu.memory_space<hbm>> -> memref<1x12800xi32, #tpu.memory_space<hbm>>
    %dma_wait3A_65 = tpu.memref_squeeze %dma_wait3A_64 : memref<1x12800xi32, #tpu.memory_space<hbm>> -> memref<12800xi32, #tpu.memory_space<hbm>>
    tpu.wait_dma2 semaphore(%arg12 : memref<!tpu.dma_semaphore, #tpu.memory_space<semaphore_mem>>) src(%dma_wait3A_65 : memref<12800xi32, #tpu.memory_space<hbm>>) dst(%arg6 : memref<12800xi32, #tpu.memory_space<vmem>>)
    %dma_start3A_66 = arith.constant 0 : i32
    %dma_start3A_67 = tpu.memref_slice %arg10[%dma_start3A_66] : memref<1001472xf32, #tpu.memory_space<vmem_shared>> -> memref<1001472xf32, #tpu.memory_space<vmem_shared>>
    tpu.enqueue_indirect_dma source(%dma_start3A_67 : memref<1001472xf32, #tpu.memory_space<vmem_shared>>) target(%arg8 : memref<12800xf32, #tpu.memory_space<vmem>>) offsets(%arg6 : memref<12800xi32, #tpu.memory_space<vmem>>) semaphore(%arg14 : memref<!tpu.dma_semaphore, #tpu.memory_space<semaphore_mem>>)
    %mul3A_68 = arith.constant 4 : i32
    %mul3A_69 = arith.muli %add3A, %mul3A_68 : i32
    %add3A_70 = arith.constant 2 : i32
    %add3A_71 = arith.addi %mul3A_69, %add3A_70 : i32
    %dma_start3A_72 = arith.constant 0 : i32
    %dma_start3A_73 = tpu.memref_slice %arg2[%add3A_71, %dma_start3A_72] : memref<128x12800xi32, #tpu.memory_space<hbm>> -> memref<1x12800xi32, #tpu.memory_space<hbm>>
    %dma_start3A_74 = tpu.memref_squeeze %dma_start3A_73 : memref<1x12800xi32, #tpu.memory_space<hbm>> -> memref<12800xi32, #tpu.memory_space<hbm>>
    %dma_start3A_75 = arith.constant 0 : i32
    %dma_start3A_76 = tpu.memref_slice %arg2[%add3A_71, %dma_start3A_75] : memref<128x12800xi32, #tpu.memory_space<hbm>> -> memref<1x12800xi32, #tpu.memory_space<hbm>>
    %dma_start3A_77 = tpu.memref_squeeze %dma_start3A_76 : memref<1x12800xi32, #tpu.memory_space<hbm>> -> memref<12800xi32, #tpu.memory_space<hbm>>
    tpu.enqueue_dma source(%dma_start3A_77 : memref<12800xi32, #tpu.memory_space<hbm>>) target(%arg5 : memref<12800xi32, #tpu.memory_space<vmem>>) target_semaphore(%arg11 : memref<!tpu.dma_semaphore, #tpu.memory_space<semaphore_mem>>)
    %broadcast_in_dim3A = arith.constant 0.000000e+00 : f32
    %broadcast_in_dim3A_78 = vector.broadcast %broadcast_in_dim3A : f32 to vector<16xf32>
    %scan3A = arith.constant 0 : i32
    %scan3A_79 = arith.constant 100 : i32
    %scan3A_80 = arith.addi %scan3A, %scan3A_79 : i32
    %scan3A_81 = arith.constant 1 : i32
    %scan3A_82:8 = scf.for %scan3A_205 = %scan3A to %scan3A_80 step %scan3A_81 iter_args(%scan3A_206 = %broadcast_in_dim3A_78, %scan3A_207 = %broadcast_in_dim3A_78, %scan3A_208 = %broadcast_in_dim3A_78, %scan3A_209 = %broadcast_in_dim3A_78, %scan3A_210 = %broadcast_in_dim3A_78, %scan3A_211 = %broadcast_in_dim3A_78, %scan3A_212 = %broadcast_in_dim3A_78, %scan3A_213 = %broadcast_in_dim3A_78) -> (vector<16xf32>, vector<16xf32>, vector<16xf32>, vector<16xf32>, vector<16xf32>, vector<16xf32>, vector<16xf32>, vector<16xf32>)  : i32 {
      %add3A_214 = vector.broadcast %scan3A_205 : i32 to vector<16xi32>
      %add3A_215 = arith.addi %add3A_36, %add3A_214 : vector<16xi32>
      %gather3A = tpu.vector_load_idx %arg7[%add3A_215] : memref<12800xf32, #tpu.memory_space<vmem>>[vector<16xi32>], vector<16xf32>,
      %add3A_216 = arith.addf %scan3A_206, %gather3A : vector<16xf32>
      %add3A_217 = vector.broadcast %scan3A_205 : i32 to vector<16xi32>
      %add3A_218 = arith.addi %add3A_39, %add3A_217 : vector<16xi32>
      %gather3A_219 = tpu.vector_load_idx %arg7[%add3A_218] : memref<12800xf32, #tpu.memory_space<vmem>>[vector<16xi32>], vector<16xf32>,
      %add3A_220 = arith.addf %scan3A_207, %gather3A_219 : vector<16xf32>
      %add3A_221 = vector.broadcast %scan3A_205 : i32 to vector<16xi32>
      %add3A_222 = arith.addi %add3A_42, %add3A_221 : vector<16xi32>
      %gather3A_223 = tpu.vector_load_idx %arg7[%add3A_222] : memref<12800xf32, #tpu.memory_space<vmem>>[vector<16xi32>], vector<16xf32>,
      %add3A_224 = arith.addf %scan3A_208, %gather3A_223 : vector<16xf32>
      %add3A_225 = vector.broadcast %scan3A_205 : i32 to vector<16xi32>
      %add3A_226 = arith.addi %add3A_45, %add3A_225 : vector<16xi32>
      %gather3A_227 = tpu.vector_load_idx %arg7[%add3A_226] : memref<12800xf32, #tpu.memory_space<vmem>>[vector<16xi32>], vector<16xf32>,
      %add3A_228 = arith.addf %scan3A_209, %gather3A_227 : vector<16xf32>
      %add3A_229 = vector.broadcast %scan3A_205 : i32 to vector<16xi32>
      %add3A_230 = arith.addi %add3A_48, %add3A_229 : vector<16xi32>
      %gather3A_231 = tpu.vector_load_idx %arg7[%add3A_230] : memref<12800xf32, #tpu.memory_space<vmem>>[vector<16xi32>], vector<16xf32>,
      %add3A_232 = arith.addf %scan3A_210, %gather3A_231 : vector<16xf32>
      %add3A_233 = vector.broadcast %scan3A_205 : i32 to vector<16xi32>
      %add3A_234 = arith.addi %add3A_51, %add3A_233 : vector<16xi32>
      %gather3A_235 = tpu.vector_load_idx %arg7[%add3A_234] : memref<12800xf32, #tpu.memory_space<vmem>>[vector<16xi32>], vector<16xf32>,
      %add3A_236 = arith.addf %scan3A_211, %gather3A_235 : vector<16xf32>
      %add3A_237 = vector.broadcast %scan3A_205 : i32 to vector<16xi32>
      %add3A_238 = arith.addi %add3A_54, %add3A_237 : vector<16xi32>
      %gather3A_239 = tpu.vector_load_idx %arg7[%add3A_238] : memref<12800xf32, #tpu.memory_space<vmem>>[vector<16xi32>], vector<16xf32>,
      %add3A_240 = arith.addf %scan3A_212, %gather3A_239 : vector<16xf32>
      %add3A_241 = vector.broadcast %scan3A_205 : i32 to vector<16xi32>
      %add3A_242 = arith.addi %add3A_57, %add3A_241 : vector<16xi32>
      %gather3A_243 = tpu.vector_load_idx %arg7[%add3A_242] : memref<12800xf32, #tpu.memory_space<vmem>>[vector<16xi32>], vector<16xf32>,
      %add3A_244 = arith.addf %scan3A_213, %gather3A_243 : vector<16xf32>
      scf.yield %add3A_216, %add3A_220, %add3A_224, %add3A_228, %add3A_232, %add3A_236, %add3A_240, %add3A_244 : vector<16xf32>, vector<16xf32>, vector<16xf32>, vector<16xf32>, vector<16xf32>, vector<16xf32>, vector<16xf32>, vector<16xf32>
    }
    %scan3A_83 = arith.constant 100 : i32
    %swap3A = arith.constant 0 : index
    %swap3A_84 = tpu.vector_load %arg9[%swap3A] {strides = array<i32>} : memref<512xf32, #tpu.memory_space<vmem>>, vector<16xf32>,
    tpu.vector_store %arg9[%swap3A], %scan3A_82#0 {strides = array<i32>} : memref<512xf32, #tpu.memory_space<vmem>>, vector<16xf32>,
    %swap3A_85 = arith.constant 16 : index
    %swap3A_86 = tpu.vector_load %arg9[%swap3A_85] {strides = array<i32>} : memref<512xf32, #tpu.memory_space<vmem>>, vector<16xf32>,
    tpu.vector_store %arg9[%swap3A_85], %scan3A_82#1 {strides = array<i32>} : memref<512xf32, #tpu.memory_space<vmem>>, vector<16xf32>,
    %swap3A_87 = arith.constant 32 : index
    %swap3A_88 = tpu.vector_load %arg9[%swap3A_87] {strides = array<i32>} : memref<512xf32, #tpu.memory_space<vmem>>, vector<16xf32>,
    tpu.vector_store %arg9[%swap3A_87], %scan3A_82#2 {strides = array<i32>} : memref<512xf32, #tpu.memory_space<vmem>>, vector<16xf32>,
    %swap3A_89 = arith.constant 48 : index
    %swap3A_90 = tpu.vector_load %arg9[%swap3A_89] {strides = array<i32>} : memref<512xf32, #tpu.memory_space<vmem>>, vector<16xf32>,
    tpu.vector_store %arg9[%swap3A_89], %scan3A_82#3 {strides = array<i32>} : memref<512xf32, #tpu.memory_space<vmem>>, vector<16xf32>,
    %swap3A_91 = arith.constant 64 : index
    %swap3A_92 = tpu.vector_load %arg9[%swap3A_91] {strides = array<i32>} : memref<512xf32, #tpu.memory_space<vmem>>, vector<16xf32>,
    tpu.vector_store %arg9[%swap3A_91], %scan3A_82#4 {strides = array<i32>} : memref<512xf32, #tpu.memory_space<vmem>>, vector<16xf32>,
    %swap3A_93 = arith.constant 80 : index
    %swap3A_94 = tpu.vector_load %arg9[%swap3A_93] {strides = array<i32>} : memref<512xf32, #tpu.memory_space<vmem>>, vector<16xf32>,
    tpu.vector_store %arg9[%swap3A_93], %scan3A_82#5 {strides = array<i32>} : memref<512xf32, #tpu.memory_space<vmem>>, vector<16xf32>,
    %swap3A_95 = arith.constant 96 : index
    %swap3A_96 = tpu.vector_load %arg9[%swap3A_95] {strides = array<i32>} : memref<512xf32, #tpu.memory_space<vmem>>, vector<16xf32>,
    tpu.vector_store %arg9[%swap3A_95], %scan3A_82#6 {strides = array<i32>} : memref<512xf32, #tpu.memory_space<vmem>>, vector<16xf32>,
    %swap3A_97 = arith.constant 112 : index
    %swap3A_98 = tpu.vector_load %arg9[%swap3A_97] {strides = array<i32>} : memref<512xf32, #tpu.memory_space<vmem>>, vector<16xf32>,
    tpu.vector_store %arg9[%swap3A_97], %scan3A_82#7 {strides = array<i32>} : memref<512xf32, #tpu.memory_space<vmem>>, vector<16xf32>,
    %dma_wait3A_99 = arith.constant 0 : i32
    %dma_wait3A_100 = tpu.memref_slice %arg10[%dma_wait3A_99] : memref<1001472xf32, #tpu.memory_space<vmem_shared>> -> memref<1001472xf32, #tpu.memory_space<vmem_shared>>
    tpu.wait_indirect_dma semaphore(%arg14 : memref<!tpu.dma_semaphore, #tpu.memory_space<semaphore_mem>>) src(%dma_wait3A_100 : memref<1001472xf32, #tpu.memory_space<vmem_shared>>) dst(%arg8 : memref<12800xf32, #tpu.memory_space<vmem>>)
    %dma_wait3A_101 = arith.constant 0 : i32
    %dma_wait3A_102 = tpu.memref_slice %arg2[%add3A_71, %dma_wait3A_101] : memref<128x12800xi32, #tpu.memory_space<hbm>> -> memref<1x12800xi32, #tpu.memory_space<hbm>>
    %dma_wait3A_103 = tpu.memref_squeeze %dma_wait3A_102 : memref<1x12800xi32, #tpu.memory_space<hbm>> -> memref<12800xi32, #tpu.memory_space<hbm>>
    %dma_wait3A_104 = arith.constant 0 : i32
    %dma_wait3A_105 = tpu.memref_slice %arg2[%add3A_71, %dma_wait3A_104] : memref<128x12800xi32, #tpu.memory_space<hbm>> -> memref<1x12800xi32, #tpu.memory_space<hbm>>
    %dma_wait3A_106 = tpu.memref_squeeze %dma_wait3A_105 : memref<1x12800xi32, #tpu.memory_space<hbm>> -> memref<12800xi32, #tpu.memory_space<hbm>>
    tpu.wait_dma2 semaphore(%arg11 : memref<!tpu.dma_semaphore, #tpu.memory_space<semaphore_mem>>) src(%dma_wait3A_106 : memref<12800xi32, #tpu.memory_space<hbm>>) dst(%arg5 : memref<12800xi32, #tpu.memory_space<vmem>>)
    %dma_start3A_107 = arith.constant 0 : i32
    %dma_start3A_108 = tpu.memref_slice %arg10[%dma_start3A_107] : memref<1001472xf32, #tpu.memory_space<vmem_shared>> -> memref<1001472xf32, #tpu.memory_space<vmem_shared>>
    tpu.enqueue_indirect_dma source(%dma_start3A_108 : memref<1001472xf32, #tpu.memory_space<vmem_shared>>) target(%arg7 : memref<12800xf32, #tpu.memory_space<vmem>>) offsets(%arg5 : memref<12800xi32, #tpu.memory_space<vmem>>) semaphore(%arg13 : memref<!tpu.dma_semaphore, #tpu.memory_space<semaphore_mem>>)
    %mul3A_109 = arith.constant 4 : i32
    %mul3A_110 = arith.muli %add3A, %mul3A_109 : i32
    %add3A_111 = arith.constant 3 : i32
    %add3A_112 = arith.addi %mul3A_110, %add3A_111 : i32
    %dma_start3A_113 = arith.constant 0 : i32
    %dma_start3A_114 = tpu.memref_slice %arg2[%add3A_112, %dma_start3A_113] : memref<128x12800xi32, #tpu.memory_space<hbm>> -> memref<1x12800xi32, #tpu.memory_space<hbm>>
    %dma_start3A_115 = tpu.memref_squeeze %dma_start3A_114 : memref<1x12800xi32, #tpu.memory_space<hbm>> -> memref<12800xi32, #tpu.memory_space<hbm>>
    %dma_start3A_116 = arith.constant 0 : i32
    %dma_start3A_117 = tpu.memref_slice %arg2[%add3A_112, %dma_start3A_116] : memref<128x12800xi32, #tpu.memory_space<hbm>> -> memref<1x12800xi32, #tpu.memory_space<hbm>>
    %dma_start3A_118 = tpu.memref_squeeze %dma_start3A_117 : memref<1x12800xi32, #tpu.memory_space<hbm>> -> memref<12800xi32, #tpu.memory_space<hbm>>
    tpu.enqueue_dma source(%dma_start3A_118 : memref<12800xi32, #tpu.memory_space<hbm>>) target(%arg6 : memref<12800xi32, #tpu.memory_space<vmem>>) target_semaphore(%arg12 : memref<!tpu.dma_semaphore, #tpu.memory_space<semaphore_mem>>)
    %broadcast_in_dim3A_119 = arith.constant 0.000000e+00 : f32
    %broadcast_in_dim3A_120 = vector.broadcast %broadcast_in_dim3A_119 : f32 to vector<16xf32>
    %scan3A_121 = arith.constant 0 : i32
    %scan3A_122 = arith.constant 100 : i32
    %scan3A_123 = arith.addi %scan3A_121, %scan3A_122 : i32
    %scan3A_124 = arith.constant 1 : i32
    %scan3A_125:8 = scf.for %scan3A_205 = %scan3A_121 to %scan3A_123 step %scan3A_124 iter_args(%scan3A_206 = %broadcast_in_dim3A_120, %scan3A_207 = %broadcast_in_dim3A_120, %scan3A_208 = %broadcast_in_dim3A_120, %scan3A_209 = %broadcast_in_dim3A_120, %scan3A_210 = %broadcast_in_dim3A_120, %scan3A_211 = %broadcast_in_dim3A_120, %scan3A_212 = %broadcast_in_dim3A_120, %scan3A_213 = %broadcast_in_dim3A_120) -> (vector<16xf32>, vector<16xf32>, vector<16xf32>, vector<16xf32>, vector<16xf32>, vector<16xf32>, vector<16xf32>, vector<16xf32>)  : i32 {
      %add3A_214 = vector.broadcast %scan3A_205 : i32 to vector<16xi32>
      %add3A_215 = arith.addi %add3A_36, %add3A_214 : vector<16xi32>
      %gather3A = tpu.vector_load_idx %arg8[%add3A_215] : memref<12800xf32, #tpu.memory_space<vmem>>[vector<16xi32>], vector<16xf32>,
      %add3A_216 = arith.addf %scan3A_206, %gather3A : vector<16xf32>
      %add3A_217 = vector.broadcast %scan3A_205 : i32 to vector<16xi32>
      %add3A_218 = arith.addi %add3A_39, %add3A_217 : vector<16xi32>
      %gather3A_219 = tpu.vector_load_idx %arg8[%add3A_218] : memref<12800xf32, #tpu.memory_space<vmem>>[vector<16xi32>], vector<16xf32>,
      %add3A_220 = arith.addf %scan3A_207, %gather3A_219 : vector<16xf32>
      %add3A_221 = vector.broadcast %scan3A_205 : i32 to vector<16xi32>
      %add3A_222 = arith.addi %add3A_42, %add3A_221 : vector<16xi32>
      %gather3A_223 = tpu.vector_load_idx %arg8[%add3A_222] : memref<12800xf32, #tpu.memory_space<vmem>>[vector<16xi32>], vector<16xf32>,
      %add3A_224 = arith.addf %scan3A_208, %gather3A_223 : vector<16xf32>
      %add3A_225 = vector.broadcast %scan3A_205 : i32 to vector<16xi32>
      %add3A_226 = arith.addi %add3A_45, %add3A_225 : vector<16xi32>
      %gather3A_227 = tpu.vector_load_idx %arg8[%add3A_226] : memref<12800xf32, #tpu.memory_space<vmem>>[vector<16xi32>], vector<16xf32>,
      %add3A_228 = arith.addf %scan3A_209, %gather3A_227 : vector<16xf32>
      %add3A_229 = vector.broadcast %scan3A_205 : i32 to vector<16xi32>
      %add3A_230 = arith.addi %add3A_48, %add3A_229 : vector<16xi32>
      %gather3A_231 = tpu.vector_load_idx %arg8[%add3A_230] : memref<12800xf32, #tpu.memory_space<vmem>>[vector<16xi32>], vector<16xf32>,
      %add3A_232 = arith.addf %scan3A_210, %gather3A_231 : vector<16xf32>
      %add3A_233 = vector.broadcast %scan3A_205 : i32 to vector<16xi32>
      %add3A_234 = arith.addi %add3A_51, %add3A_233 : vector<16xi32>
      %gather3A_235 = tpu.vector_load_idx %arg8[%add3A_234] : memref<12800xf32, #tpu.memory_space<vmem>>[vector<16xi32>], vector<16xf32>,
      %add3A_236 = arith.addf %scan3A_211, %gather3A_235 : vector<16xf32>
      %add3A_237 = vector.broadcast %scan3A_205 : i32 to vector<16xi32>
      %add3A_238 = arith.addi %add3A_54, %add3A_237 : vector<16xi32>
      %gather3A_239 = tpu.vector_load_idx %arg8[%add3A_238] : memref<12800xf32, #tpu.memory_space<vmem>>[vector<16xi32>], vector<16xf32>,
      %add3A_240 = arith.addf %scan3A_212, %gather3A_239 : vector<16xf32>
      %add3A_241 = vector.broadcast %scan3A_205 : i32 to vector<16xi32>
      %add3A_242 = arith.addi %add3A_57, %add3A_241 : vector<16xi32>
      %gather3A_243 = tpu.vector_load_idx %arg8[%add3A_242] : memref<12800xf32, #tpu.memory_space<vmem>>[vector<16xi32>], vector<16xf32>,
      %add3A_244 = arith.addf %scan3A_213, %gather3A_243 : vector<16xf32>
      scf.yield %add3A_216, %add3A_220, %add3A_224, %add3A_228, %add3A_232, %add3A_236, %add3A_240, %add3A_244 : vector<16xf32>, vector<16xf32>, vector<16xf32>, vector<16xf32>, vector<16xf32>, vector<16xf32>, vector<16xf32>, vector<16xf32>
    }
    %scan3A_126 = arith.constant 100 : i32
    %swap3A_127 = arith.constant 128 : index
    %swap3A_128 = tpu.vector_load %arg9[%swap3A_127] {strides = array<i32>} : memref<512xf32, #tpu.memory_space<vmem>>, vector<16xf32>,
    tpu.vector_store %arg9[%swap3A_127], %scan3A_125#0 {strides = array<i32>} : memref<512xf32, #tpu.memory_space<vmem>>, vector<16xf32>,
    %swap3A_129 = arith.constant 144 : index
    %swap3A_130 = tpu.vector_load %arg9[%swap3A_129] {strides = array<i32>} : memref<512xf32, #tpu.memory_space<vmem>>, vector<16xf32>,
    tpu.vector_store %arg9[%swap3A_129], %scan3A_125#1 {strides = array<i32>} : memref<512xf32, #tpu.memory_space<vmem>>, vector<16xf32>,
    %swap3A_131 = arith.constant 160 : index
    %swap3A_132 = tpu.vector_load %arg9[%swap3A_131] {strides = array<i32>} : memref<512xf32, #tpu.memory_space<vmem>>, vector<16xf32>,
    tpu.vector_store %arg9[%swap3A_131], %scan3A_125#2 {strides = array<i32>} : memref<512xf32, #tpu.memory_space<vmem>>, vector<16xf32>,
    %swap3A_133 = arith.constant 176 : index
    %swap3A_134 = tpu.vector_load %arg9[%swap3A_133] {strides = array<i32>} : memref<512xf32, #tpu.memory_space<vmem>>, vector<16xf32>,
    tpu.vector_store %arg9[%swap3A_133], %scan3A_125#3 {strides = array<i32>} : memref<512xf32, #tpu.memory_space<vmem>>, vector<16xf32>,
    %swap3A_135 = arith.constant 192 : index
    %swap3A_136 = tpu.vector_load %arg9[%swap3A_135] {strides = array<i32>} : memref<512xf32, #tpu.memory_space<vmem>>, vector<16xf32>,
    tpu.vector_store %arg9[%swap3A_135], %scan3A_125#4 {strides = array<i32>} : memref<512xf32, #tpu.memory_space<vmem>>, vector<16xf32>,
    %swap3A_137 = arith.constant 208 : index
    %swap3A_138 = tpu.vector_load %arg9[%swap3A_137] {strides = array<i32>} : memref<512xf32, #tpu.memory_space<vmem>>, vector<16xf32>,
    tpu.vector_store %arg9[%swap3A_137], %scan3A_125#5 {strides = array<i32>} : memref<512xf32, #tpu.memory_space<vmem>>, vector<16xf32>,
    %swap3A_139 = arith.constant 224 : index
    %swap3A_140 = tpu.vector_load %arg9[%swap3A_139] {strides = array<i32>} : memref<512xf32, #tpu.memory_space<vmem>>, vector<16xf32>,
    tpu.vector_store %arg9[%swap3A_139], %scan3A_125#6 {strides = array<i32>} : memref<512xf32, #tpu.memory_space<vmem>>, vector<16xf32>,
    %swap3A_141 = arith.constant 240 : index
    %swap3A_142 = tpu.vector_load %arg9[%swap3A_141] {strides = array<i32>} : memref<512xf32, #tpu.memory_space<vmem>>, vector<16xf32>,
    tpu.vector_store %arg9[%swap3A_141], %scan3A_125#7 {strides = array<i32>} : memref<512xf32, #tpu.memory_space<vmem>>, vector<16xf32>,
    %dma_wait3A_143 = arith.constant 0 : i32
    %dma_wait3A_144 = tpu.memref_slice %arg10[%dma_wait3A_143] : memref<1001472xf32, #tpu.memory_space<vmem_shared>> -> memref<1001472xf32, #tpu.memory_space<vmem_shared>>
    tpu.wait_indirect_dma semaphore(%arg13 : memref<!tpu.dma_semaphore, #tpu.memory_space<semaphore_mem>>) src(%dma_wait3A_144 : memref<1001472xf32, #tpu.memory_space<vmem_shared>>) dst(%arg7 : memref<12800xf32, #tpu.memory_space<vmem>>)
    %dma_wait3A_145 = arith.constant 0 : i32
    %dma_wait3A_146 = tpu.memref_slice %arg2[%add3A_112, %dma_wait3A_145] : memref<128x12800xi32, #tpu.memory_space<hbm>> -> memref<1x12800xi32, #tpu.memory_space<hbm>>
    %dma_wait3A_147 = tpu.memref_squeeze %dma_wait3A_146 : memref<1x12800xi32, #tpu.memory_space<hbm>> -> memref<12800xi32, #tpu.memory_space<hbm>>
    %dma_wait3A_148 = arith.constant 0 : i32
    %dma_wait3A_149 = tpu.memref_slice %arg2[%add3A_112, %dma_wait3A_148] : memref<128x12800xi32, #tpu.memory_space<hbm>> -> memref<1x12800xi32, #tpu.memory_space<hbm>>
    %dma_wait3A_150 = tpu.memref_squeeze %dma_wait3A_149 : memref<1x12800xi32, #tpu.memory_space<hbm>> -> memref<12800xi32, #tpu.memory_space<hbm>>
    tpu.wait_dma2 semaphore(%arg12 : memref<!tpu.dma_semaphore, #tpu.memory_space<semaphore_mem>>) src(%dma_wait3A_150 : memref<12800xi32, #tpu.memory_space<hbm>>) dst(%arg6 : memref<12800xi32, #tpu.memory_space<vmem>>)
    %dma_start3A_151 = arith.constant 0 : i32
    %dma_start3A_152 = tpu.memref_slice %arg10[%dma_start3A_151] : memref<1001472xf32, #tpu.memory_space<vmem_shared>> -> memref<1001472xf32, #tpu.memory_space<vmem_shared>>
    tpu.enqueue_indirect_dma source(%dma_start3A_152 : memref<1001472xf32, #tpu.memory_space<vmem_shared>>) target(%arg8 : memref<12800xf32, #tpu.memory_space<vmem>>) offsets(%arg6 : memref<12800xi32, #tpu.memory_space<vmem>>) semaphore(%arg14 : memref<!tpu.dma_semaphore, #tpu.memory_space<semaphore_mem>>)
    %broadcast_in_dim3A_153 = arith.constant 0.000000e+00 : f32
    %broadcast_in_dim3A_154 = vector.broadcast %broadcast_in_dim3A_153 : f32 to vector<16xf32>
    %scan3A_155 = arith.constant 0 : i32
    %scan3A_156 = arith.constant 100 : i32
    %scan3A_157 = arith.addi %scan3A_155, %scan3A_156 : i32
    %scan3A_158 = arith.constant 1 : i32
    %scan3A_159:8 = scf.for %scan3A_205 = %scan3A_155 to %scan3A_157 step %scan3A_158 iter_args(%scan3A_206 = %broadcast_in_dim3A_154, %scan3A_207 = %broadcast_in_dim3A_154, %scan3A_208 = %broadcast_in_dim3A_154, %scan3A_209 = %broadcast_in_dim3A_154, %scan3A_210 = %broadcast_in_dim3A_154, %scan3A_211 = %broadcast_in_dim3A_154, %scan3A_212 = %broadcast_in_dim3A_154, %scan3A_213 = %broadcast_in_dim3A_154) -> (vector<16xf32>, vector<16xf32>, vector<16xf32>, vector<16xf32>, vector<16xf32>, vector<16xf32>, vector<16xf32>, vector<16xf32>)  : i32 {
      %add3A_214 = vector.broadcast %scan3A_205 : i32 to vector<16xi32>
      %add3A_215 = arith.addi %add3A_36, %add3A_214 : vector<16xi32>
      %gather3A = tpu.vector_load_idx %arg7[%add3A_215] : memref<12800xf32, #tpu.memory_space<vmem>>[vector<16xi32>], vector<16xf32>,
      %add3A_216 = arith.addf %scan3A_206, %gather3A : vector<16xf32>
      %add3A_217 = vector.broadcast %scan3A_205 : i32 to vector<16xi32>
      %add3A_218 = arith.addi %add3A_39, %add3A_217 : vector<16xi32>
      %gather3A_219 = tpu.vector_load_idx %arg7[%add3A_218] : memref<12800xf32, #tpu.memory_space<vmem>>[vector<16xi32>], vector<16xf32>,
      %add3A_220 = arith.addf %scan3A_207, %gather3A_219 : vector<16xf32>
      %add3A_221 = vector.broadcast %scan3A_205 : i32 to vector<16xi32>
      %add3A_222 = arith.addi %add3A_42, %add3A_221 : vector<16xi32>
      %gather3A_223 = tpu.vector_load_idx %arg7[%add3A_222] : memref<12800xf32, #tpu.memory_space<vmem>>[vector<16xi32>], vector<16xf32>,
      %add3A_224 = arith.addf %scan3A_208, %gather3A_223 : vector<16xf32>
      %add3A_225 = vector.broadcast %scan3A_205 : i32 to vector<16xi32>
      %add3A_226 = arith.addi %add3A_45, %add3A_225 : vector<16xi32>
      %gather3A_227 = tpu.vector_load_idx %arg7[%add3A_226] : memref<12800xf32, #tpu.memory_space<vmem>>[vector<16xi32>], vector<16xf32>,
      %add3A_228 = arith.addf %scan3A_209, %gather3A_227 : vector<16xf32>
      %add3A_229 = vector.broadcast %scan3A_205 : i32 to vector<16xi32>
      %add3A_230 = arith.addi %add3A_48, %add3A_229 : vector<16xi32>
      %gather3A_231 = tpu.vector_load_idx %arg7[%add3A_230] : memref<12800xf32, #tpu.memory_space<vmem>>[vector<16xi32>], vector<16xf32>,
      %add3A_232 = arith.addf %scan3A_210, %gather3A_231 : vector<16xf32>
      %add3A_233 = vector.broadcast %scan3A_205 : i32 to vector<16xi32>
      %add3A_234 = arith.addi %add3A_51, %add3A_233 : vector<16xi32>
      %gather3A_235 = tpu.vector_load_idx %arg7[%add3A_234] : memref<12800xf32, #tpu.memory_space<vmem>>[vector<16xi32>], vector<16xf32>,
      %add3A_236 = arith.addf %scan3A_211, %gather3A_235 : vector<16xf32>
      %add3A_237 = vector.broadcast %scan3A_205 : i32 to vector<16xi32>
      %add3A_238 = arith.addi %add3A_54, %add3A_237 : vector<16xi32>
      %gather3A_239 = tpu.vector_load_idx %arg7[%add3A_238] : memref<12800xf32, #tpu.memory_space<vmem>>[vector<16xi32>], vector<16xf32>,
      %add3A_240 = arith.addf %scan3A_212, %gather3A_239 : vector<16xf32>
      %add3A_241 = vector.broadcast %scan3A_205 : i32 to vector<16xi32>
      %add3A_242 = arith.addi %add3A_57, %add3A_241 : vector<16xi32>
      %gather3A_243 = tpu.vector_load_idx %arg7[%add3A_242] : memref<12800xf32, #tpu.memory_space<vmem>>[vector<16xi32>], vector<16xf32>,
      %add3A_244 = arith.addf %scan3A_213, %gather3A_243 : vector<16xf32>
      scf.yield %add3A_216, %add3A_220, %add3A_224, %add3A_228, %add3A_232, %add3A_236, %add3A_240, %add3A_244 : vector<16xf32>, vector<16xf32>, vector<16xf32>, vector<16xf32>, vector<16xf32>, vector<16xf32>, vector<16xf32>, vector<16xf32>
    }
    %scan3A_160 = arith.constant 100 : i32
    %swap3A_161 = arith.constant 256 : index
    %swap3A_162 = tpu.vector_load %arg9[%swap3A_161] {strides = array<i32>} : memref<512xf32, #tpu.memory_space<vmem>>, vector<16xf32>,
    tpu.vector_store %arg9[%swap3A_161], %scan3A_159#0 {strides = array<i32>} : memref<512xf32, #tpu.memory_space<vmem>>, vector<16xf32>,
    %swap3A_163 = arith.constant 272 : index
    %swap3A_164 = tpu.vector_load %arg9[%swap3A_163] {strides = array<i32>} : memref<512xf32, #tpu.memory_space<vmem>>, vector<16xf32>,
    tpu.vector_store %arg9[%swap3A_163], %scan3A_159#1 {strides = array<i32>} : memref<512xf32, #tpu.memory_space<vmem>>, vector<16xf32>,
    %swap3A_165 = arith.constant 288 : index
    %swap3A_166 = tpu.vector_load %arg9[%swap3A_165] {strides = array<i32>} : memref<512xf32, #tpu.memory_space<vmem>>, vector<16xf32>,
    tpu.vector_store %arg9[%swap3A_165], %scan3A_159#2 {strides = array<i32>} : memref<512xf32, #tpu.memory_space<vmem>>, vector<16xf32>,
    %swap3A_167 = arith.constant 304 : index
    %swap3A_168 = tpu.vector_load %arg9[%swap3A_167] {strides = array<i32>} : memref<512xf32, #tpu.memory_space<vmem>>, vector<16xf32>,
    tpu.vector_store %arg9[%swap3A_167], %scan3A_159#3 {strides = array<i32>} : memref<512xf32, #tpu.memory_space<vmem>>, vector<16xf32>,
    %swap3A_169 = arith.constant 320 : index
    %swap3A_170 = tpu.vector_load %arg9[%swap3A_169] {strides = array<i32>} : memref<512xf32, #tpu.memory_space<vmem>>, vector<16xf32>,
    tpu.vector_store %arg9[%swap3A_169], %scan3A_159#4 {strides = array<i32>} : memref<512xf32, #tpu.memory_space<vmem>>, vector<16xf32>,
    %swap3A_171 = arith.constant 336 : index
    %swap3A_172 = tpu.vector_load %arg9[%swap3A_171] {strides = array<i32>} : memref<512xf32, #tpu.memory_space<vmem>>, vector<16xf32>,
    tpu.vector_store %arg9[%swap3A_171], %scan3A_159#5 {strides = array<i32>} : memref<512xf32, #tpu.memory_space<vmem>>, vector<16xf32>,
    %swap3A_173 = arith.constant 352 : index
    %swap3A_174 = tpu.vector_load %arg9[%swap3A_173] {strides = array<i32>} : memref<512xf32, #tpu.memory_space<vmem>>, vector<16xf32>,
    tpu.vector_store %arg9[%swap3A_173], %scan3A_159#6 {strides = array<i32>} : memref<512xf32, #tpu.memory_space<vmem>>, vector<16xf32>,
    %swap3A_175 = arith.constant 368 : index
    %swap3A_176 = tpu.vector_load %arg9[%swap3A_175] {strides = array<i32>} : memref<512xf32, #tpu.memory_space<vmem>>, vector<16xf32>,
    tpu.vector_store %arg9[%swap3A_175], %scan3A_159#7 {strides = array<i32>} : memref<512xf32, #tpu.memory_space<vmem>>, vector<16xf32>,
    %dma_wait3A_177 = arith.constant 0 : i32
    %dma_wait3A_178 = tpu.memref_slice %arg10[%dma_wait3A_177] : memref<1001472xf32, #tpu.memory_space<vmem_shared>> -> memref<1001472xf32, #tpu.memory_space<vmem_shared>>
    tpu.wait_indirect_dma semaphore(%arg14 : memref<!tpu.dma_semaphore, #tpu.memory_space<semaphore_mem>>) src(%dma_wait3A_178 : memref<1001472xf32, #tpu.memory_space<vmem_shared>>) dst(%arg8 : memref<12800xf32, #tpu.memory_space<vmem>>)
    %broadcast_in_dim3A_179 = arith.constant 0.000000e+00 : f32
    %broadcast_in_dim3A_180 = vector.broadcast %broadcast_in_dim3A_179 : f32 to vector<16xf32>
    %scan3A_181 = arith.constant 0 : i32
    %scan3A_182 = arith.constant 100 : i32
    %scan3A_183 = arith.addi %scan3A_181, %scan3A_182 : i32
    %scan3A_184 = arith.constant 1 : i32
    %scan3A_185:8 = scf.for %scan3A_205 = %scan3A_181 to %scan3A_183 step %scan3A_184 iter_args(%scan3A_206 = %broadcast_in_dim3A_180, %scan3A_207 = %broadcast_in_dim3A_180, %scan3A_208 = %broadcast_in_dim3A_180, %scan3A_209 = %broadcast_in_dim3A_180, %scan3A_210 = %broadcast_in_dim3A_180, %scan3A_211 = %broadcast_in_dim3A_180, %scan3A_212 = %broadcast_in_dim3A_180, %scan3A_213 = %broadcast_in_dim3A_180) -> (vector<16xf32>, vector<16xf32>, vector<16xf32>, vector<16xf32>, vector<16xf32>, vector<16xf32>, vector<16xf32>, vector<16xf32>)  : i32 {
      %add3A_214 = vector.broadcast %scan3A_205 : i32 to vector<16xi32>
      %add3A_215 = arith.addi %add3A_36, %add3A_214 : vector<16xi32>
      %gather3A = tpu.vector_load_idx %arg8[%add3A_215] : memref<12800xf32, #tpu.memory_space<vmem>>[vector<16xi32>], vector<16xf32>,
      %add3A_216 = arith.addf %scan3A_206, %gather3A : vector<16xf32>
      %add3A_217 = vector.broadcast %scan3A_205 : i32 to vector<16xi32>
      %add3A_218 = arith.addi %add3A_39, %add3A_217 : vector<16xi32>
      %gather3A_219 = tpu.vector_load_idx %arg8[%add3A_218] : memref<12800xf32, #tpu.memory_space<vmem>>[vector<16xi32>], vector<16xf32>,
      %add3A_220 = arith.addf %scan3A_207, %gather3A_219 : vector<16xf32>
      %add3A_221 = vector.broadcast %scan3A_205 : i32 to vector<16xi32>
      %add3A_222 = arith.addi %add3A_42, %add3A_221 : vector<16xi32>
      %gather3A_223 = tpu.vector_load_idx %arg8[%add3A_222] : memref<12800xf32, #tpu.memory_space<vmem>>[vector<16xi32>], vector<16xf32>,
      %add3A_224 = arith.addf %scan3A_208, %gather3A_223 : vector<16xf32>
      %add3A_225 = vector.broadcast %scan3A_205 : i32 to vector<16xi32>
      %add3A_226 = arith.addi %add3A_45, %add3A_225 : vector<16xi32>
      %gather3A_227 = tpu.vector_load_idx %arg8[%add3A_226] : memref<12800xf32, #tpu.memory_space<vmem>>[vector<16xi32>], vector<16xf32>,
      %add3A_228 = arith.addf %scan3A_209, %gather3A_227 : vector<16xf32>
      %add3A_229 = vector.broadcast %scan3A_205 : i32 to vector<16xi32>
      %add3A_230 = arith.addi %add3A_48, %add3A_229 : vector<16xi32>
      %gather3A_231 = tpu.vector_load_idx %arg8[%add3A_230] : memref<12800xf32, #tpu.memory_space<vmem>>[vector<16xi32>], vector<16xf32>,
      %add3A_232 = arith.addf %scan3A_210, %gather3A_231 : vector<16xf32>
      %add3A_233 = vector.broadcast %scan3A_205 : i32 to vector<16xi32>
      %add3A_234 = arith.addi %add3A_51, %add3A_233 : vector<16xi32>
      %gather3A_235 = tpu.vector_load_idx %arg8[%add3A_234] : memref<12800xf32, #tpu.memory_space<vmem>>[vector<16xi32>], vector<16xf32>,
      %add3A_236 = arith.addf %scan3A_211, %gather3A_235 : vector<16xf32>
      %add3A_237 = vector.broadcast %scan3A_205 : i32 to vector<16xi32>
      %add3A_238 = arith.addi %add3A_54, %add3A_237 : vector<16xi32>
      %gather3A_239 = tpu.vector_load_idx %arg8[%add3A_238] : memref<12800xf32, #tpu.memory_space<vmem>>[vector<16xi32>], vector<16xf32>,
      %add3A_240 = arith.addf %scan3A_212, %gather3A_239 : vector<16xf32>
      %add3A_241 = vector.broadcast %scan3A_205 : i32 to vector<16xi32>
      %add3A_242 = arith.addi %add3A_57, %add3A_241 : vector<16xi32>
      %gather3A_243 = tpu.vector_load_idx %arg8[%add3A_242] : memref<12800xf32, #tpu.memory_space<vmem>>[vector<16xi32>], vector<16xf32>,
      %add3A_244 = arith.addf %scan3A_213, %gather3A_243 : vector<16xf32>
      scf.yield %add3A_216, %add3A_220, %add3A_224, %add3A_228, %add3A_232, %add3A_236, %add3A_240, %add3A_244 : vector<16xf32>, vector<16xf32>, vector<16xf32>, vector<16xf32>, vector<16xf32>, vector<16xf32>, vector<16xf32>, vector<16xf32>
    }
    %scan3A_186 = arith.constant 100 : i32
    %swap3A_187 = arith.constant 384 : index
    %swap3A_188 = tpu.vector_load %arg9[%swap3A_187] {strides = array<i32>} : memref<512xf32, #tpu.memory_space<vmem>>, vector<16xf32>,
    tpu.vector_store %arg9[%swap3A_187], %scan3A_185#0 {strides = array<i32>} : memref<512xf32, #tpu.memory_space<vmem>>, vector<16xf32>,
    %swap3A_189 = arith.constant 400 : index
    %swap3A_190 = tpu.vector_load %arg9[%swap3A_189] {strides = array<i32>} : memref<512xf32, #tpu.memory_space<vmem>>, vector<16xf32>,
    tpu.vector_store %arg9[%swap3A_189], %scan3A_185#1 {strides = array<i32>} : memref<512xf32, #tpu.memory_space<vmem>>, vector<16xf32>,
    %swap3A_191 = arith.constant 416 : index
    %swap3A_192 = tpu.vector_load %arg9[%swap3A_191] {strides = array<i32>} : memref<512xf32, #tpu.memory_space<vmem>>, vector<16xf32>,
    tpu.vector_store %arg9[%swap3A_191], %scan3A_185#2 {strides = array<i32>} : memref<512xf32, #tpu.memory_space<vmem>>, vector<16xf32>,
    %swap3A_193 = arith.constant 432 : index
    %swap3A_194 = tpu.vector_load %arg9[%swap3A_193] {strides = array<i32>} : memref<512xf32, #tpu.memory_space<vmem>>, vector<16xf32>,
    tpu.vector_store %arg9[%swap3A_193], %scan3A_185#3 {strides = array<i32>} : memref<512xf32, #tpu.memory_space<vmem>>, vector<16xf32>,
    %swap3A_195 = arith.constant 448 : index
    %swap3A_196 = tpu.vector_load %arg9[%swap3A_195] {strides = array<i32>} : memref<512xf32, #tpu.memory_space<vmem>>, vector<16xf32>,
    tpu.vector_store %arg9[%swap3A_195], %scan3A_185#4 {strides = array<i32>} : memref<512xf32, #tpu.memory_space<vmem>>, vector<16xf32>,
    %swap3A_197 = arith.constant 464 : index
    %swap3A_198 = tpu.vector_load %arg9[%swap3A_197] {strides = array<i32>} : memref<512xf32, #tpu.memory_space<vmem>>, vector<16xf32>,
    tpu.vector_store %arg9[%swap3A_197], %scan3A_185#5 {strides = array<i32>} : memref<512xf32, #tpu.memory_space<vmem>>, vector<16xf32>,
    %swap3A_199 = arith.constant 480 : index
    %swap3A_200 = tpu.vector_load %arg9[%swap3A_199] {strides = array<i32>} : memref<512xf32, #tpu.memory_space<vmem>>, vector<16xf32>,
    tpu.vector_store %arg9[%swap3A_199], %scan3A_185#6 {strides = array<i32>} : memref<512xf32, #tpu.memory_space<vmem>>, vector<16xf32>,
    %swap3A_201 = arith.constant 496 : index
    %swap3A_202 = tpu.vector_load %arg9[%swap3A_201] {strides = array<i32>} : memref<512xf32, #tpu.memory_space<vmem>>, vector<16xf32>,
    tpu.vector_store %arg9[%swap3A_201], %scan3A_185#7 {strides = array<i32>} : memref<512xf32, #tpu.memory_space<vmem>>, vector<16xf32>,
    %mul3A_203 = arith.constant 512 : i32
    %mul3A_204 = arith.muli %add3A, %mul3A_203 : i32
    "tpu.region"() ({
      %run_scoped3A = tpu.sem_alloc : memref<!tpu.dma_semaphore, #tpu.memory_space<semaphore_mem>>
      %dma_start3A_205 = tpu.memref_slice %arg4[%mul3A_204] : memref<16384xf32, #tpu.memory_space<hbm>> -> memref<512xf32, #tpu.memory_space<hbm>>
      %dma_start3A_206 = tpu.memref_slice %arg4[%mul3A_204] : memref<16384xf32, #tpu.memory_space<hbm>> -> memref<512xf32, #tpu.memory_space<hbm>>
      tpu.enqueue_dma source(%arg9 : memref<512xf32, #tpu.memory_space<vmem>>) target(%dma_start3A_206 : memref<512xf32, #tpu.memory_space<hbm>>) target_semaphore(%run_scoped3A : memref<!tpu.dma_semaphore, #tpu.memory_space<semaphore_mem>>)
      %dma_wait3A_207 = tpu.memref_slice %arg4[%mul3A_204] : memref<16384xf32, #tpu.memory_space<hbm>> -> memref<512xf32, #tpu.memory_space<hbm>>
      %dma_wait3A_208 = tpu.memref_slice %arg4[%mul3A_204] : memref<16384xf32, #tpu.memory_space<hbm>> -> memref<512xf32, #tpu.memory_space<hbm>>
      tpu.wait_dma2 semaphore(%run_scoped3A : memref<!tpu.dma_semaphore, #tpu.memory_space<semaphore_mem>>) src(%arg9 : memref<512xf32, #tpu.memory_space<vmem>>) dst(%dma_wait3A_208 : memref<512xf32, #tpu.memory_space<hbm>>)
      tpu.yield
    }) : () -> ()
    return
  }
}

</mosaic_0001>

<sc_bundles>
// kernel: kernel.3.cloned.1.call-start
scs
__scs_entry_jumppad:
0x0: {  	(pc) =	sbr.rel $0x88, $3  }
0x1: {  	(tag) =	ssettag $0x0;
	lr =	simm.s32 $0x1  }
0x2: {  	[smem:$0x3F9F] =	sst lr;
	_ =	strace $0xD0000000  }
0x3: {  	_ = 	snop  }
0x4: {  	_ = 	snop  }
0x5: {  	_ = 	snop  }
0x6: {  	_ = 	snop  }
0x7: {  	_ = 	snop  }
__scs_overlays_trampoline_lowered:
0x8: {  	[smem:$0x3FAE] =	sst s0  }
0x9: {  	[smem:$0x3FAF] =	sst s1  }
0xa: {  	[smem:$0x3FB0] =	sst s2  }
0xb: {  	[smem:$0x3FB1] =	sst s3  }
0xc: {  	[smem:$0x3FB2] =	sst s4  }
0xd: {  	[smem:$0x3FB3] =	sst s5  }
0xe: {  	[smem:$0x3FB4] =	sst s6  }
0xf: {  	[smem:$0x3FB5] =	sst s7  }
0x10: {  	[smem:$0x3FB6] =	sst s8  }
0x11: {  	[smem:$0x3FB7] =	sst s9;
	s0 =	simm.s32 @!p0 $0x0  }
0x12: {  	s1 =	sld [smem:$0x3F9D];
	s0 =	simm.s32 @p0 $0x1  }
0x13: {  	[smem:$0x3FB8] =	sst s0;
	s0 =	simm.s32 @!p1 $0x0  }
0x14: {  	s2 =	sld [smem:$0x3F9C];
	s0 =	simm.s32 @p1 $0x1  }
0x15: {  	[smem:$0x3FB9] =	sst s0;
	s0 =	simm.s32 @!p2 $0x0  }
0x16: {  	s3 =	sld [smem:$0x3FDB];
	s0 =	simm.s32 @p2 $0x1  }
0x17: {  	s4 =	simm.s32 $0x1BF5;
	[smem:$0x3FBB] =	sst s0  }
0x18: {  	s0 =	sld [smem:$0x3F9E];
	_ =	swait.ge [sflag:s4], $0x0  }
0x19: {  	s7 =	sld [smem:$0x3F9F]  }
0x1a: {  	s8 =	sadd.s32 $0xFFFFE003, lr  }
0x1b: {  	s9 =	sadd.s32 $0xFFFFFEF7, lr;
	s5 =	simm.s32 $0xFFFFFFFF;
	p2 =	slt.u32 s8, $0xFFFFF086  }
0x1c: {  	p1 =	slt.u32 s9, $0xF7A;
	s5 =	simm.s32 @!p2 $0x0  }
0x1d: {  	s5 =	simm.s32 @p1 $0x1;
	p0 =	seq.s32 s7, s2  }
0x1e: {  	s7 =	smul.u32 @!p0 $0xF7A, s2;
	p2 =	seq.s32 @!p0 s5, $0x0  }
0x1f: {  	s9 =	smul.u32 $0xF7A, s1;
	s8 =	simm.s32 @!p0 $0x1BF5;
	p2 =	por !p2, p0  }
0x20: {  	[sflag:s8] =	ssyncset.s32 @!p0 $0xFFFFF086;
	s6 =	sadd.s32 @!p0 s3, s7;
	s7 =	simm.s32 @!p0 $0x108  }
0x21: {  	s3 =	sadd.s32 s3, s9;
	s6 =	sadd.s32 @!p0 $0x88, s6;
	s7 =	simm.s32 @p2 $0x1082  }
0x22: {  	[simem:s7], [sflag:s8] =	dma.local @!p0 [hbm:s6], $0xF7A  }
0x23: {  	s9 =	sor.u32 $0xD0000000, s2;
	s6 =	simm.s32 $0x108;
	_ =	swait.ge @!p0 [sflag:s8], $0x0  }
0x24: {  	s3 =	sadd.s32 $0x88, s3;
	s6 =	simm.s32 @!p1 $0x1082;
	[sflag:s4] =	ssyncset.s32 $0xFFFFF086  }
0x25: {  	[simem:s6], [sflag:s4] =	dma.local [hbm:s3], $0xF7A  }
0x26: {  	[smem:$0x3F9F] =	sst s1;
	(tag) =	ssettag s2;
	_ =	strace s9  }
0x27: {  	s1 =	sld [smem:$0x3FAF]  }
0x28: {  	s2 =	sld [smem:$0x3FB0]  }
0x29: {  	s4 =	sld [smem:$0x3FB2]  }
0x2a: {  	p0 =	seq.s32 s5, $0x0;
	s5 =	sld [smem:$0x3FB3]  }
0x2b: {  	s6 =	sld [smem:$0x3FB4]  }
0x2c: {  	s7 =	sld [smem:$0x3FB5]  }
0x2d: {  	s3 =	simm.s32 $0x108;
	s8 =	sld [smem:$0x3FB6]  }
0x2e: {  	s3 =	simm.s32 @!p0 $0x1082;
	s9 =	sld [smem:$0x3FB7]  }
0x2f: {  	lr =	sadd.s32 s0, s3;
	s0 =	sld [smem:$0x3FAE]  }
0x30: {  	s3 =	sld [smem:$0x3FB1]  }
0x31: {  	[smem:$0x3FBA] =	sst s10  }
0x32: {  	s10 =	sld [smem:$0x3FB8];
	_ =	sdelay $0x3  }
0x33: {  	p0 =	seq.s32 s10, $0x1;
	s10 =	sld [smem:$0x3FBA];
	_ =	sdelay $0x3  }
0x34: {  	[smem:$0x3FBA] =	sst s10  }
0x35: {  	s10 =	sld [smem:$0x3FB9];
	_ =	sdelay $0x3  }
0x36: {  	p1 =	seq.s32 s10, $0x1;
	s10 =	sld [smem:$0x3FBA];
	_ =	sdelay $0x3  }
0x37: {  	[smem:$0x3FBA] =	sst s10  }
0x38: {  	s10 =	sld [smem:$0x3FBB]  }
0x39: {  	_ = 	snop;
	(pc) =	sbr.ind lr, $3  }
0x3a: {  	_ = 	snop  }
0x3b: {  	_ = 	snop  }
0x3c: {  	p2 =	seq.s32 s10, $0x1;
	s10 =	sld [smem:$0x3FBA]  }
0x3d: {  	_ =	shalt  }
0x3e: {  	_ =	shalt  }
0x3f: {  	_ =	shalt  }
0x40: {  	_ =	shalt  }
0x41: {  	_ =	shalt  }
0x42: {  	_ =	shalt  }
0x43: {  	_ =	shalt  }
0x44: {  	_ =	shalt  }
0x45: {  	_ =	shalt  }
0x46: {  	_ =	shalt  }
0x47: {  	_ =	shalt  }
0x48: {  	_ =	shalt  }
0x49: {  	_ =	shalt  }
0x4a: {  	_ =	shalt  }
0x4b: {  	_ =	shalt  }
0x4c: {  	_ =	shalt  }
0x4d: {  	_ =	shalt  }
0x4e: {  	_ =	shalt  }
0x4f: {  	_ =	shalt  }
0x50: {  	_ =	shalt  }
0x51: {  	_ =	shalt  }
0x52: {  	_ =	shalt  }
0x53: {  	_ =	shalt  }
0x54: {  	_ =	shalt  }
0x55: {  	_ =	shalt  }
0x56: {  	_ =	shalt  }
0x57: {  	_ =	shalt  }
0x58: {  	_ =	shalt  }
0x59: {  	_ =	shalt  }
0x5a: {  	_ =	shalt  }
0x5b: {  	_ =	shalt  }
0x5c: {  	_ =	shalt  }
0x5d: {  	_ =	shalt  }
0x5e: {  	_ =	shalt  }
0x5f: {  	_ =	shalt  }
0x60: {  	_ =	shalt  }
0x61: {  	_ =	shalt  }
0x62: {  	_ =	shalt  }
0x63: {  	_ =	shalt  }
0x64: {  	_ =	shalt  }
0x65: {  	_ =	shalt  }
0x66: {  	_ =	shalt  }
0x67: {  	_ =	shalt  }
0x68: {  	_ =	shalt  }
0x69: {  	_ =	shalt  }
0x6a: {  	_ =	shalt  }
0x6b: {  	_ =	shalt  }
0x6c: {  	_ =	shalt  }
0x6d: {  	_ =	shalt  }
0x6e: {  	_ =	shalt  }
0x6f: {  	_ =	shalt  }
0x70: {  	_ =	shalt  }
0x71: {  	_ =	shalt  }
0x72: {  	_ =	shalt  }
0x73: {  	_ =	shalt  }
0x74: {  	_ =	shalt  }
0x75: {  	_ =	shalt  }
0x76: {  	_ =	shalt  }
0x77: {  	_ =	shalt  }
0x78: {  	_ =	shalt  }
0x79: {  	_ =	shalt  }
0x7a: {  	_ =	shalt  }
0x7b: {  	_ =	shalt  }
0x7c: {  	_ =	shalt  }
0x7d: {  	_ =	shalt  }
0x7e: {  	_ =	shalt  }
0x7f: {  	_ =	shalt  }
0x80: {  	_ =	shalt  }
0x81: {  	_ =	shalt  }
0x82: {  	_ =	shalt  }
0x83: {  	_ =	shalt  }
0x84: {  	_ =	shalt  }
0x85: {  	_ =	shalt  }
0x86: {  	_ =	shalt  }
0x87: {  	_ =	shalt  }
.Lfunc_end0:
.L_simem_size_0:
called_computation_lowered:
.L_overlay_start_0:
0x88: {  	s2 =	sld [smem:$0x3FD9]  }
0x89: {  	s3 =	sld [smem:$0x3FFE];
	_ =	sdelay $0x1  }
0x8a: {  	s1 =	srdreg.scid  }
0x8b: {  	s0 =	sand.u32 $0x1, s1  }
0x8c: {  	s17 =	sshll.u32 s0, $0xA;
	s2 =	sadd.s32 s3, s2  }
0x8d: {  	s2 =	sadd.s32 s2, s17  }
0x8e: {  	[smem:$0x3FC6] =	sst s2  }
0x8f: {  	_ = 	snop  }
0x90: {  	s2 =	sld [smem:$0x3FD0];
	(tm) =	ssettm $0x1  }
0x91: {  	s18 =	sld [smem:$0x3FFB];
	_ =	sdelay $0x3  }
0x92: {  	_ =	strace s18  }
0x93: {  	s3 =	sld [smem:$0x3FFC];
	_ =	sdelay $0x3  }
0x94: {  	_ =	strace s3  }
0x95: {  	s3 =	sld [smem:$0x3FFD];
	_ =	sdelay $0x3  }
0x96: {  	_ =	strace s3  }
0x97: {  	_ =	strace $0x8FFFFFFF  }
0x98: {  	s19 =	sld [smem:$0x3FDB];
	_ =	sdelay $0x1  }
0x99: {  	s4 =	simm.s32 $_scs_section_size  }
0x9a: {  	s5 =	simm.s32 $_size__tile_overlayer_lowered;
	s6 =	simm.s32 $_tile_overlayer_lowered  }
0x9b: {  	s22 =	simm.s32 $0x1BFF;
	s21 =	sshll.u32 s6, $0x1;
	s3 =	sadd.s32 s4, s19  }
0x9c: {  	s7 =	simm.s32 $0x0;
	s20 =	sshll.u32 s5, $0x1;
	s5 =	sadd.s32 s21, s3  }
0x9d: {  	[timem:s7], [sflag:s22] =	dma.local [hbm:s5], s20  }
0x9e: {  	_ =	swait.ge [sflag:s22], s20  }
0x9f: {  	s4 =	ssub.s32 $0x0, s20;
	[sflag:s22] =	ssyncset.done $0x0  }
0xa0: {  	[sflag:s22] =	ssyncadd.s32 s4;
	_ =	sdelay $0x1  }
0xa1: {  	s23 =	simm.s32 $0x1B8B  }
0xa2: {  	_ =	swait.ge [sflag:s23], $0x1  }
0xa3: {  	[sflag:s23] =	ssyncset.done $0x0  }
0xa4: {  	s25 =	simm.s32 $0x1B8E;
	s24 =	sld [smem:$0x3FFE];
	[sflag:s23] =	ssyncadd.s32 $0xFFFFFFFF  }
0xa5: {  	s26 =	simm.s32 $execute0_lowered;
	[smem:$0x3FD2] =	sst s25  }
0xa6: {  	s5 =	sshll.u32 s26, $0x1;
	_ =	strace $0x80000046;
	[dreg:$0x1] =	wrdreg $0xFFFFFFFF  }
0xa7: {  	s28 =	simm.s32 $_size_execute0_lowered;
	s3 =	sadd.s32 s3, s5;
	[dreg:$0x0] =	wrdreg $0x0  }
0xa8: {  	s5 =	sshll.u32 s28, $0x1;
	[dreg:$0x2] =	wrdreg s3  }
0xa9: {  	[dreg:$0x3] =	wrdreg s5  }
0xaa: {  	[dreg:$0x4] =	wrdreg $0xC0  }
0xab: {  	_ =	task [dreg:s7], $0x5FFFF  }
0xac: {  	[dreg:$0x1] =	wrdreg $0xFFFFFFFF  }
0xad: {  	[dreg:$0x0] =	wrdreg $0x60  }
0xae: {  	[dreg:$0x2] =	wrdreg s24  }
0xaf: {  	[dreg:$0x3] =	wrdreg s2  }
0xb0: {  	[dreg:$0x4] =	wrdreg $0xCA000  }
0xb1: {  	[dreg:$0x5] =	wrdreg $0x9  }
0xb2: {  	_ =	task.clear_ibuf [dreg:s7], $0x6FFFF;
	_ =	strace $0x90000046  }
0xb3: {  	s29 =	simm.s32 $0x9;
	_ =	strace $0x80000048  }
0xb4: {  	_ =	swait.ge [sflag:s29], $0x1  }
0xb5: {  	[sflag:s29] =	ssyncadd.s32 $0xFFFFFFFF  }
0xb6: {  	_ =	strace $0x90000048  }
0xb7: {  	_ =	sfence  }
0xb8: {  	s30 =	sld [smem:$0x0];
	_ =	sdelay $0x2  }
0xb9: {  	s31 =	sshll.u32 s1, $0xD;
	s1 =	sshrl.u32 s1, $0x2  }
0xba: {  	s3 =	sand.u32 $0x4000, s31;
	s1 =	sadd.s32 s1, s30  }
0xbb: {  	s0 =	sor.u32 s3, s0;
	s1 =	sshll.u32 s1, $0x11  }
0xbc: {  	s0 =	sor.u32 s1, s0  }
0xbd: {  	s0 =	sadd.s32 $0x8F2B, s0  }
0xbe: {  	[sflag:s0] =	ssyncadd.remote.s32 $0x1  }
0xbf: {  	_ =	sfence.sel $0xFFFF  }
0xc0: {  	[dreg:$0x0] =	wrdreg $0xFFFFFFFF;
	(pc) =	sbr.abs _section_cstart, $3  }
0xc1: {  	[dreg:$0x1] =	wrdreg $0xFFFFFFFF  }
0xc2: {  	_ =	task.clear_ibuf [dreg:s7], $0x2FFFF;
	_ =	strace $0x9FFFFFFF  }
0xc3: {  	(tm) =	ssettm $0x7FFFFFFF  }
tec
execute0_lowered:
.L_overlay_start_1:
0x0: {  	(tag) =	ssettag $0x1  }
0x1: {  	s4 =	rddreg [dreg:$0x0]  }
0x2: {  	s10 =	rddreg [dreg:$0x1]  }
0x3: {  	s2 =	rddreg [dreg:$0x2]  }
0x4: {  	s0 =	rddreg [dreg:$0x3];
	s5 =	srdreg.scid  }
0x5: {  	s1 =	stileid.u32;
	s3 =	simm.s32 $0x0;
	s15 =	simm.s32 $0x5  }
0x6: {  	s16 =	simm.s32 $0x1;
	s17 =	simm.s32 $0x3200;
	s18 =	simm.s32 $0x6400  }
0x7: {  	s19 =	simm.s32 $0x3;
	s20 =	simm.s32 $0x2;
	s21 =	simm.s32 $0x9600  }
0x8: {  	s22 =	simm.s32 $0x4;
	s23 =	simm.s32 $0xC800;
	s24 =	simm.s32 $0x0  }
0x9: {  	s9 =	sand.u32 $0x1, s5;
	s25 =	smul.u32 $0x19000, s1;
	[smem:$0x7FF] =	sst s3  }
0xa: {  	s7 =	smul.u32 $0xF480, s1;
	s30 =	sshll.u32 s1, $0x6;
	s31 =	sshll.u32 s1, $0x7  }
0xb: {  	s6 =	sshll.u32 s9, $0x9;
	_ =	strace $0x80000047;
	s8 =	ssub.s32 $0x2, s9  }
0xc: {  	s13 =	sshll.u32 s9, $0x6;
	s5 =	sor.u32 s6, s25;
	s26 =	sshrl.u32 s7, $0x3  }
0xd: {  	v0 =	vlaneseq.u32;
	s29 =	sshrl.u32 s8, $0x1;
	s14 =	sadd.s32 s7, s2;
	s6 =	sor.u32 $0x1C05, s30  }
0xe: {  	v0 =	vmul.u32 $0x64, v0;
	s10 =	sadd.s32 s10, s13;
	s13 =	simm.s32 $0x400;
	s5 =	sshrl.u32 s5, $0x3  }
0xf: {  	s28 =	sadd.s32 s26, s4;
	s12 =	ssub.s32 s8, s29;
	s10 =	sadd.s32 s31, s10  }
0x10: {  	v1 =	vadd.s32 $0x640, v0;
	s14 =	sshrl.u32 s14, $0x3;
	s11 =	sadd.s32 s5, s4;
	s5 =	sadd.s32 $0x32600, s28  }
0x11: {  	v2 =	vadd.s32 $0xC80, v0;
	v3 =	vadd.s32 $0x12C0, v0;
	v4 =	vadd.s32 $0x1900, v0;
	s4 =	sadd.s32 $0x600, s11;
	s7 =	sadd.s32 $0x610, s11;
	s8 =	sadd.s32 $0x620, s11  }
0x12: {  	v5 =	vadd.s32 $0x1F40, v0;
	v6 =	vadd.s32 $0x2580, v0;
	v7 =	vadd.s32 $0x2BC0, v0;
	s9 =	sadd.s32 $0x630, s11;
	s11 =	smax.u32 s12, $0x1;
	s12 =	simm.s32 $0x80  }
.LBB2_1:
0x13: {  	[tilespmem:s3], [sflag:$0x1] =	stream.strided.gather [hbm4b:s4+s12], $0x3200, s13, s12, $0x38;
	[tilespmem:$0x1BE80] =	vst v63  }
0x14: {  	[spmem:s14], [sflag:s6] =	dma.local [hbm:s5], $0x1E90  }
0x15: {  	_ =	swait.ge [sflag:s15], $0x1E90  }
0x16: {  	[sflag:s15] =	ssyncset.done $0x0  }
0x17: {  	[sflag:s15] =	ssyncadd.s32 $0xFFFFE170  }
0x18: {  	[bflag:$0x0] =	sbarrier.arrive $0xFFFF  }
0x19: {  	_ =	swait.ge [sflag:s16], $0x3200  }
0x1a: {  	[sflag:s16] =	ssyncset.done $0x0  }
0x1b: {  	[sflag:s16] =	ssyncadd.s32 $0xFFFFCE00  }
0x1c: {  	[tilespmem:s18], [sflag:$0x3] =	stream.indirect.gather [spmem:s2], $0x1, s3, s17, $0xb8;
	[tilespmem:$0x1BE80] =	vst v63  }
0x1d: {  	_ = 	snop  }
0x1e: {  	[tilespmem:s17], [sflag:$0x2] =	stream.strided.gather [hbm4b:s7+s12], $0x3200, s13, s12, $0x38;
	[tilespmem:$0x1BE80] =	vst v63  }
0x1f: {  	_ =	swait.ge [sflag:s19], $0x3200  }
0x20: {  	[sflag:s19] =	ssyncset.done $0x0  }
0x21: {  	[sflag:s19] =	ssyncadd.s32 $0xFFFFCE00  }
0x22: {  	_ =	swait.ge [sflag:s20], $0x3200  }
0x23: {  	v8 =	vadd.s32 s3, v7;
	[sflag:s20] =	ssyncset.done $0x0  }
0x24: {  	v9 =	vadd.s32 s3, v6;
	[sflag:s20] =	ssyncadd.s32 $0xFFFFCE00  }
0x25: {  	v10 =	vadd.s32 s3, v5;
	[tilespmem:s21], [sflag:$0x4] =	stream.indirect.gather [spmem:s2], $0x1, s17, s17, $0xb8;
	[tilespmem:$0x1BE80] =	vst v63  }
0x26: {  	v11 =	vadd.s32 s3, v4  }
0x27: {  	v12 =	vadd.s32 s3, v3;
	[tilespmem:s3], [sflag:$0x1] =	stream.strided.gather [hbm4b:s8+s12], $0x3200, s13, s12, $0x38;
	[tilespmem:$0x1BE80] =	vst v63  }
0x28: {  	v13 =	vadd.s32 s3, v2;
	v16 =	vld.idx.msk [tilespmem:v8+s18+$0x0], $0xffff  }
0x29: {  	v14 =	vadd.s32 s3, v1;
	v9 =	vld.idx.msk [tilespmem:v9+s18+$0x0], $0xffff  }
0x2a: {  	v19 =	vadd.s32 s3, v0;
	s25 =	simm.s32 $0x1;
	v18 =	vld.idx.msk [tilespmem:v10+s18+$0x0], $0xffff  }
0x2b: {  	v20 =	vadd.s32 s25, v6;
	v8 =	vld.idx.msk [tilespmem:v11+s18+$0x0], $0xffff  }
0x2c: {  	v21 =	vadd.s32 s25, v5;
	v12 =	vld.idx.msk [tilespmem:v12+s18+$0x0], $0xffff  }
0x2d: {  	v10 =	vadd.s32 s25, v7;
	v15 =	vld.idx.msk [tilespmem:v13+s18+$0x0], $0xffff  }
0x2e: {  	v17 =	vld.idx.msk [tilespmem:v14+s18+$0x0], $0xffff  }
0x2f: {  	v23 =	vadd.s32 s25, v4;
	v22 =	vld.idx.msk [tilespmem:v19+s18+$0x0], $0xffff  }
0x30: {  	v26 =	vimm.f32 $0.0e+00;
	v25 =	vimm.f32 $0.0e+00;
	v24 =	vadd.s32 s25, v3;
	v14 =	vld.idx.msk [tilespmem:v20+s18+$0x0], $0xffff  }
0x31: {  	v27 =	vadd.s32 s25, v2;
	v28 =	vadd.s32 s25, v1;
	v29 =	vadd.s32 s25, v0;
	v19 =	vld.idx.msk [tilespmem:v21+s18+$0x0], $0xffff  }
0x32: {  	v11 =	vimm.f32 $0.0e+00;
	v20 =	vimm.f32 $0.0e+00;
	v21 =	vimm.f32 $0.0e+00;
	v13 =	vld.idx.msk [tilespmem:v10+s18+$0x0], $0xffff  }
0x33: {  	s25 =	simm.s32 $0x2;
	v9 =	vadd.f32 v9, v11;
	v10 =	vadd.f32 v16, v11;
	v16 =	vimm.f32 $0.0e+00  }
.LBB2_2:
0x34: {  	v30 =	vadd.s32 s25, v7;
	p0 =	sne.s32 s25, $0x63;
	v11 =	vadd.f32 v8, v11;
	v8 =	vld.idx.msk [tilespmem:v23+s18+$0x0], $0xffff;
	v16 =	vadd.f32 v18, v16  }
0x35: {  	v31 =	vadd.s32 s25, v6;
	v20 =	vadd.f32 v15, v20;
	v21 =	vadd.f32 v12, v21;
	v12 =	vld.idx.msk [tilespmem:v24+s18+$0x0], $0xffff  }
0x36: {  	v32 =	vadd.s32 s25, v5;
	v25 =	vadd.f32 v17, v25;
	v26 =	vadd.f32 v22, v26;
	v15 =	vld.idx.msk [tilespmem:v27+s18+$0x0], $0xffff  }
.Ltmp0:
0x37: {  	v23 =	vadd.s32 s25, v4;
	v33 =	vmov v13;
	v17 =	vld.idx.msk [tilespmem:v28+s18+$0x0], $0xffff;
	(pc) =	sbr.rel @p0 .LBB2_2-.Ltmp0, $4  }
0x38: {  	v24 =	vadd.s32 s25, v3;
	v34 =	vmov v14;
	v22 =	vld.idx.msk [tilespmem:v29+s18+$0x0], $0xffff  }
0x39: {  	v27 =	vadd.s32 s25, v2;
	v18 =	vmov v19;
	v13 =	vld.idx.msk [tilespmem:v30+s18+$0x0], $0xffff  }
0x3a: {  	v28 =	vadd.s32 s25, v1;
	v14 =	vld.idx.msk [tilespmem:v31+s18+$0x0], $0xffff  }
0x3b: {  	v10 =	vadd.f32 v33, v10;
	v29 =	vadd.s32 s25, v0;
	s25 =	sadd.s32 $0x1, s25;
	v9 =	vadd.f32 v34, v9;
	v19 =	vld.idx.msk [tilespmem:v32+s18+$0x0], $0xffff  }
0x3c: {  	_ =	sdelay $0x3  }
0x3d: {  	v29 =	vld.idx.msk [tilespmem:v29+s18+$0x0], $0xffff  }
0x3e: {  	v28 =	vld.idx.msk [tilespmem:v28+s18+$0x0], $0xffff  }
0x3f: {  	v27 =	vld.idx.msk [tilespmem:v27+s18+$0x0], $0xffff  }
0x40: {  	v24 =	vld.idx.msk [tilespmem:v24+s18+$0x0], $0xffff;
	v22 =	vadd.f32 v22, v26  }
0x41: {  	v23 =	vld.idx.msk [tilespmem:v23+s18+$0x0], $0xffff;
	v17 =	vadd.f32 v17, v25;
	v9 =	vadd.f32 v14, v9  }
0x42: {  	v15 =	vadd.f32 v15, v20;
	v20 =	vadd.f32 v29, v22  }
0x43: {  	v12 =	vadd.f32 v12, v21;
	v17 =	vadd.f32 v28, v17;
	[tilespmem:$0xC860] =	vst v9  }
0x44: {  	v8 =	vadd.f32 v8, v11;
	v11 =	vadd.f32 v27, v15;
	[tilespmem:$0xC800] =	vst v20  }
0x45: {  	v15 =	vadd.f32 v18, v16;
	v12 =	vadd.f32 v24, v12;
	[tilespmem:$0xC810] =	vst v17  }
0x46: {  	v8 =	vadd.f32 v23, v8;
	[tilespmem:$0xC820] =	vst v11  }
0x47: {  	v11 =	vadd.f32 v19, v15;
	[tilespmem:$0xC830] =	vst v12  }
0x48: {  	[tilespmem:$0xC840] =	vst v8;
	v8 =	vadd.f32 v13, v10  }
0x49: {  	[tilespmem:$0xC850] =	vst v11  }
0x4a: {  	[tilespmem:$0xC870] =	vst v8  }
0x4b: {  	_ =	swait.ge [sflag:s22], $0x3200  }
0x4c: {  	[sflag:s22] =	ssyncset.done $0x0  }
0x4d: {  	[sflag:s22] =	ssyncadd.s32 $0xFFFFCE00  }
0x4e: {  	s25 =	simm.s32 $0x0;
	_ =	swait.ge [sflag:s16], $0x3200  }
0x4f: {  	v8 =	vadd.s32 s25, v7;
	[sflag:s16] =	ssyncset.done $0x0  }
0x50: {  	v9 =	vadd.s32 s25, v6;
	[sflag:s16] =	ssyncadd.s32 $0xFFFFCE00  }
0x51: {  	v10 =	vadd.s32 s25, v5;
	[tilespmem:s18], [sflag:$0x3] =	stream.indirect.gather [spmem:s2], $0x1, s25, s17, $0xb8;
	[tilespmem:$0x1BE80] =	vst v63  }
0x52: {  	v11 =	vadd.s32 s25, v4  }
0x53: {  	v12 =	vadd.s32 s25, v3;
	[tilespmem:s17], [sflag:$0x2] =	stream.strided.gather [hbm4b:s9+s12], $0x3200, s13, s12, $0x38;
	[tilespmem:$0x1BE80] =	vst v63  }
0x54: {  	v13 =	vadd.s32 s25, v2;
	v16 =	vld.idx.msk [tilespmem:v8+s21+$0x0], $0xffff  }
0x55: {  	v14 =	vadd.s32 s25, v1;
	v9 =	vld.idx.msk [tilespmem:v9+s21+$0x0], $0xffff  }
0x56: {  	s31 =	simm.s32 $0x1;
	v19 =	vadd.s32 s25, v0;
	v18 =	vld.idx.msk [tilespmem:v10+s21+$0x0], $0xffff  }
0x57: {  	v20 =	vadd.s32 s31, v6;
	v8 =	vld.idx.msk [tilespmem:v11+s21+$0x0], $0xffff  }
0x58: {  	v21 =	vadd.s32 s31, v5;
	v12 =	vld.idx.msk [tilespmem:v12+s21+$0x0], $0xffff  }
0x59: {  	v10 =	vadd.s32 s31, v7;
	v15 =	vld.idx.msk [tilespmem:v13+s21+$0x0], $0xffff  }
0x5a: {  	v17 =	vld.idx.msk [tilespmem:v14+s21+$0x0], $0xffff  }
0x5b: {  	v23 =	vadd.s32 s31, v4;
	v22 =	vld.idx.msk [tilespmem:v19+s21+$0x0], $0xffff  }
0x5c: {  	v25 =	vimm.f32 $0.0e+00;
	v26 =	vimm.f32 $0.0e+00;
	v24 =	vadd.s32 s31, v3;
	v14 =	vld.idx.msk [tilespmem:v20+s21+$0x0], $0xffff  }
0x5d: {  	v27 =	vadd.s32 s31, v2;
	v28 =	vadd.s32 s31, v1;
	v29 =	vadd.s32 s31, v0;
	v19 =	vld.idx.msk [tilespmem:v21+s21+$0x0], $0xffff  }
0x5e: {  	v11 =	vimm.f32 $0.0e+00;
	v20 =	vimm.f32 $0.0e+00;
	v21 =	vimm.f32 $0.0e+00;
	v13 =	vld.idx.msk [tilespmem:v10+s21+$0x0], $0xffff  }
0x5f: {  	s25 =	simm.s32 $0x2;
	v9 =	vadd.f32 v9, v11;
	v10 =	vadd.f32 v16, v11;
	v16 =	vimm.f32 $0.0e+00  }
.LBB2_4:
0x60: {  	v30 =	vadd.s32 s25, v7;
	p0 =	sne.s32 s25, $0x63;
	v11 =	vadd.f32 v8, v11;
	v8 =	vld.idx.msk [tilespmem:v23+s21+$0x0], $0xffff;
	v16 =	vadd.f32 v18, v16  }
0x61: {  	v31 =	vadd.s32 s25, v6;
	v20 =	vadd.f32 v15, v20;
	v21 =	vadd.f32 v12, v21;
	v12 =	vld.idx.msk [tilespmem:v24+s21+$0x0], $0xffff  }
0x62: {  	v32 =	vadd.s32 s25, v5;
	v25 =	vadd.f32 v17, v25;
	v26 =	vadd.f32 v22, v26;
	v15 =	vld.idx.msk [tilespmem:v27+s21+$0x0], $0xffff  }
.Ltmp1:
0x63: {  	v23 =	vadd.s32 s25, v4;
	v33 =	vmov v13;
	v17 =	vld.idx.msk [tilespmem:v28+s21+$0x0], $0xffff;
	(pc) =	sbr.rel @p0 .LBB2_4-.Ltmp1, $4  }
0x64: {  	v24 =	vadd.s32 s25, v3;
	v34 =	vmov v14;
	v22 =	vld.idx.msk [tilespmem:v29+s21+$0x0], $0xffff  }
0x65: {  	v27 =	vadd.s32 s25, v2;
	v18 =	vmov v19;
	v13 =	vld.idx.msk [tilespmem:v30+s21+$0x0], $0xffff  }
0x66: {  	v28 =	vadd.s32 s25, v1;
	v14 =	vld.idx.msk [tilespmem:v31+s21+$0x0], $0xffff  }
0x67: {  	v10 =	vadd.f32 v33, v10;
	v29 =	vadd.s32 s25, v0;
	s25 =	sadd.s32 $0x1, s25;
	v9 =	vadd.f32 v34, v9;
	v19 =	vld.idx.msk [tilespmem:v32+s21+$0x0], $0xffff  }
0x68: {  	_ =	sdelay $0x3  }
0x69: {  	v29 =	vld.idx.msk [tilespmem:v29+s21+$0x0], $0xffff  }
0x6a: {  	v28 =	vld.idx.msk [tilespmem:v28+s21+$0x0], $0xffff  }
0x6b: {  	v27 =	vld.idx.msk [tilespmem:v27+s21+$0x0], $0xffff  }
0x6c: {  	v24 =	vld.idx.msk [tilespmem:v24+s21+$0x0], $0xffff;
	v22 =	vadd.f32 v22, v26  }
0x6d: {  	v23 =	vld.idx.msk [tilespmem:v23+s21+$0x0], $0xffff;
	v17 =	vadd.f32 v17, v25;
	v9 =	vadd.f32 v14, v9  }
0x6e: {  	v15 =	vadd.f32 v15, v20;
	v20 =	vadd.f32 v29, v22  }
0x6f: {  	v12 =	vadd.f32 v12, v21;
	v17 =	vadd.f32 v28, v17;
	[tilespmem:$0xC8E0] =	vst v9  }
0x70: {  	v8 =	vadd.f32 v8, v11;
	v11 =	vadd.f32 v27, v15;
	[tilespmem:$0xC880] =	vst v20  }
0x71: {  	v15 =	vadd.f32 v18, v16;
	v12 =	vadd.f32 v24, v12;
	[tilespmem:$0xC890] =	vst v17  }
0x72: {  	v8 =	vadd.f32 v23, v8;
	[tilespmem:$0xC8A0] =	vst v11  }
0x73: {  	v11 =	vadd.f32 v19, v15;
	[tilespmem:$0xC8B0] =	vst v12  }
0x74: {  	[tilespmem:$0xC8C0] =	vst v8;
	v8 =	vadd.f32 v13, v10  }
0x75: {  	[tilespmem:$0xC8D0] =	vst v11  }
0x76: {  	[tilespmem:$0xC8F0] =	vst v8  }
0x77: {  	_ =	swait.ge [sflag:s19], $0x3200  }
0x78: {  	s25 =	simm.s32 $0x0;
	[sflag:s19] =	ssyncset.done $0x0  }
0x79: {  	v8 =	vadd.s32 s25, v7;
	[sflag:s19] =	ssyncadd.s32 $0xFFFFCE00  }
0x7a: {  	v9 =	vadd.s32 s25, v6;
	_ =	swait.ge [sflag:s20], $0x3200  }
0x7b: {  	v10 =	vadd.s32 s25, v5;
	[sflag:s20] =	ssyncset.done $0x0  }
0x7c: {  	v11 =	vadd.s32 s25, v4;
	[sflag:s20] =	ssyncadd.s32 $0xFFFFCE00  }
0x7d: {  	v12 =	vadd.s32 s25, v3;
	[tilespmem:s21], [sflag:$0x4] =	stream.indirect.gather [spmem:s2], $0x1, s17, s17, $0xb8;
	[tilespmem:$0x1BE80] =	vst v63  }
0x7e: {  	v13 =	vadd.s32 s25, v2;
	v16 =	vld.idx.msk [tilespmem:v8+s18+$0x0], $0xffff  }
0x7f: {  	v14 =	vadd.s32 s25, v1;
	v9 =	vld.idx.msk [tilespmem:v9+s18+$0x0], $0xffff  }
0x80: {  	s31 =	simm.s32 $0x1;
	v19 =	vadd.s32 s25, v0;
	v18 =	vld.idx.msk [tilespmem:v10+s18+$0x0], $0xffff  }
0x81: {  	v20 =	vadd.s32 s31, v6;
	v8 =	vld.idx.msk [tilespmem:v11+s18+$0x0], $0xffff  }
0x82: {  	v21 =	vadd.s32 s31, v5;
	v12 =	vld.idx.msk [tilespmem:v12+s18+$0x0], $0xffff  }
0x83: {  	v10 =	vadd.s32 s31, v7;
	v15 =	vld.idx.msk [tilespmem:v13+s18+$0x0], $0xffff  }
0x84: {  	v17 =	vld.idx.msk [tilespmem:v14+s18+$0x0], $0xffff  }
0x85: {  	v23 =	vadd.s32 s31, v4;
	v22 =	vld.idx.msk [tilespmem:v19+s18+$0x0], $0xffff  }
0x86: {  	v25 =	vimm.f32 $0.0e+00;
	v26 =	vimm.f32 $0.0e+00;
	v24 =	vadd.s32 s31, v3;
	v14 =	vld.idx.msk [tilespmem:v20+s18+$0x0], $0xffff  }
0x87: {  	v27 =	vadd.s32 s31, v2;
	v28 =	vadd.s32 s31, v1;
	v29 =	vadd.s32 s31, v0;
	v19 =	vld.idx.msk [tilespmem:v21+s18+$0x0], $0xffff  }
0x88: {  	v11 =	vimm.f32 $0.0e+00;
	v20 =	vimm.f32 $0.0e+00;
	v21 =	vimm.f32 $0.0e+00;
	v13 =	vld.idx.msk [tilespmem:v10+s18+$0x0], $0xffff  }
0x89: {  	s25 =	simm.s32 $0x2;
	v9 =	vadd.f32 v9, v11;
	v10 =	vadd.f32 v16, v11;
	v16 =	vimm.f32 $0.0e+00  }
.LBB2_6:
0x8a: {  	v30 =	vadd.s32 s25, v7;
	p0 =	sne.s32 s25, $0x63;
	v11 =	vadd.f32 v8, v11;
	v8 =	vld.idx.msk [tilespmem:v23+s18+$0x0], $0xffff;
	v16 =	vadd.f32 v18, v16  }
0x8b: {  	v31 =	vadd.s32 s25, v6;
	v20 =	vadd.f32 v15, v20;
	v21 =	vadd.f32 v12, v21;
	v12 =	vld.idx.msk [tilespmem:v24+s18+$0x0], $0xffff  }
0x8c: {  	v32 =	vadd.s32 s25, v5;
	v25 =	vadd.f32 v17, v25;
	v26 =	vadd.f32 v22, v26;
	v15 =	vld.idx.msk [tilespmem:v27+s18+$0x0], $0xffff  }
.Ltmp2:
0x8d: {  	v23 =	vadd.s32 s25, v4;
	v33 =	vmov v13;
	v17 =	vld.idx.msk [tilespmem:v28+s18+$0x0], $0xffff;
	(pc) =	sbr.rel @p0 .LBB2_6-.Ltmp2, $4  }
0x8e: {  	v24 =	vadd.s32 s25, v3;
	v34 =	vmov v14;
	v22 =	vld.idx.msk [tilespmem:v29+s18+$0x0], $0xffff  }
0x8f: {  	v27 =	vadd.s32 s25, v2;
	v18 =	vmov v19;
	v13 =	vld.idx.msk [tilespmem:v30+s18+$0x0], $0xffff  }
0x90: {  	v28 =	vadd.s32 s25, v1;
	v14 =	vld.idx.msk [tilespmem:v31+s18+$0x0], $0xffff  }
0x91: {  	v10 =	vadd.f32 v33, v10;
	v29 =	vadd.s32 s25, v0;
	s25 =	sadd.s32 $0x1, s25;
	v9 =	vadd.f32 v34, v9;
	v19 =	vld.idx.msk [tilespmem:v32+s18+$0x0], $0xffff  }
0x92: {  	_ =	sdelay $0x3  }
0x93: {  	v29 =	vld.idx.msk [tilespmem:v29+s18+$0x0], $0xffff  }
0x94: {  	v28 =	vld.idx.msk [tilespmem:v28+s18+$0x0], $0xffff  }
0x95: {  	v27 =	vld.idx.msk [tilespmem:v27+s18+$0x0], $0xffff  }
0x96: {  	v24 =	vld.idx.msk [tilespmem:v24+s18+$0x0], $0xffff;
	v22 =	vadd.f32 v22, v26  }
0x97: {  	v23 =	vld.idx.msk [tilespmem:v23+s18+$0x0], $0xffff;
	v17 =	vadd.f32 v17, v25;
	v9 =	vadd.f32 v14, v9  }
0x98: {  	v15 =	vadd.f32 v15, v20;
	v20 =	vadd.f32 v29, v22  }
0x99: {  	v12 =	vadd.f32 v12, v21;
	v17 =	vadd.f32 v28, v17;
	[tilespmem:$0xC960] =	vst v9  }
0x9a: {  	v8 =	vadd.f32 v8, v11;
	v11 =	vadd.f32 v27, v15;
	[tilespmem:$0xC900] =	vst v20  }
0x9b: {  	v15 =	vadd.f32 v18, v16;
	v12 =	vadd.f32 v24, v12;
	[tilespmem:$0xC910] =	vst v17  }
0x9c: {  	v8 =	vadd.f32 v23, v8;
	[tilespmem:$0xC920] =	vst v11  }
0x9d: {  	v11 =	vadd.f32 v19, v15;
	[tilespmem:$0xC930] =	vst v12  }
0x9e: {  	s25 =	simm.s32 $0x0;
	[tilespmem:$0xC940] =	vst v8;
	v8 =	vadd.f32 v13, v10  }
0x9f: {  	v9 =	vadd.s32 s25, v7;
	[tilespmem:$0xC950] =	vst v11  }
0xa0: {  	v10 =	vadd.s32 s25, v5;
	[tilespmem:$0xC970] =	vst v8  }
0xa1: {  	v12 =	vadd.s32 s25, v3;
	_ =	swait.ge [sflag:s22], $0x3200  }
0xa2: {  	v13 =	vadd.s32 s25, v2;
	[sflag:s22] =	ssyncset.done $0x0  }
0xa3: {  	v19 =	vadd.s32 s25, v0;
	[sflag:s22] =	ssyncadd.s32 $0xFFFFCE00  }
0xa4: {  	v8 =	vadd.s32 s25, v6;
	v16 =	vld.idx.msk [tilespmem:v9+s21+$0x0], $0xffff  }
0xa5: {  	s31 =	simm.s32 $0x1;
	v11 =	vadd.s32 s25, v4;
	v18 =	vld.idx.msk [tilespmem:v10+s21+$0x0], $0xffff  }
0xa6: {  	v21 =	vadd.s32 s31, v5;
	v12 =	vld.idx.msk [tilespmem:v12+s21+$0x0], $0xffff  }
0xa7: {  	v9 =	vadd.s32 s25, v1;
	v15 =	vld.idx.msk [tilespmem:v13+s21+$0x0], $0xffff  }
0xa8: {  	v10 =	vadd.s32 s31, v7;
	v22 =	vld.idx.msk [tilespmem:v19+s21+$0x0], $0xffff  }
0xa9: {  	v20 =	vadd.s32 s31, v6;
	v14 =	vld.idx.msk [tilespmem:v8+s21+$0x0], $0xffff  }
0xaa: {  	v23 =	vadd.s32 s31, v4;
	v8 =	vld.idx.msk [tilespmem:v11+s21+$0x0], $0xffff  }
0xab: {  	v25 =	vimm.f32 $0.0e+00;
	v26 =	vimm.f32 $0.0e+00;
	v24 =	vadd.s32 s31, v3;
	v19 =	vld.idx.msk [tilespmem:v21+s21+$0x0], $0xffff  }
0xac: {  	v27 =	vadd.s32 s31, v2;
	v28 =	vadd.s32 s31, v1;
	v11 =	vimm.f32 $0.0e+00;
	v17 =	vld.idx.msk [tilespmem:v9+s21+$0x0], $0xffff  }
0xad: {  	v29 =	vadd.s32 s31, v0;
	v21 =	vimm.f32 $0.0e+00;
	v13 =	vld.idx.msk [tilespmem:v10+s21+$0x0], $0xffff;
	v10 =	vadd.f32 v16, v11  }
0xae: {  	s25 =	simm.s32 $0x2;
	v16 =	vimm.f32 $0.0e+00;
	v9 =	vadd.f32 v14, v11;
	v14 =	vld.idx.msk [tilespmem:v20+s21+$0x0], $0xffff;
	v20 =	vimm.f32 $0.0e+00  }
.LBB2_8:
0xaf: {  	v30 =	vadd.s32 s25, v7;
	p0 =	sne.s32 s25, $0x63;
	v11 =	vadd.f32 v8, v11;
	v8 =	vld.idx.msk [tilespmem:v23+s21+$0x0], $0xffff;
	v16 =	vadd.f32 v18, v16  }
0xb0: {  	v31 =	vadd.s32 s25, v6;
	v20 =	vadd.f32 v15, v20;
	v21 =	vadd.f32 v12, v21;
	v12 =	vld.idx.msk [tilespmem:v24+s21+$0x0], $0xffff  }
0xb1: {  	v32 =	vadd.s32 s25, v5;
	v25 =	vadd.f32 v17, v25;
	v26 =	vadd.f32 v22, v26;
	v15 =	vld.idx.msk [tilespmem:v27+s21+$0x0], $0xffff  }
.Ltmp3:
0xb2: {  	v23 =	vadd.s32 s25, v4;
	v33 =	vmov v13;
	v17 =	vld.idx.msk [tilespmem:v28+s21+$0x0], $0xffff;
	(pc) =	sbr.rel @p0 .LBB2_8-.Ltmp3, $4  }
0xb3: {  	v24 =	vadd.s32 s25, v3;
	v34 =	vmov v14;
	v22 =	vld.idx.msk [tilespmem:v29+s21+$0x0], $0xffff  }
0xb4: {  	v27 =	vadd.s32 s25, v2;
	v18 =	vmov v19;
	v13 =	vld.idx.msk [tilespmem:v30+s21+$0x0], $0xffff  }
0xb5: {  	v28 =	vadd.s32 s25, v1;
	v14 =	vld.idx.msk [tilespmem:v31+s21+$0x0], $0xffff  }
0xb6: {  	v10 =	vadd.f32 v33, v10;
	v29 =	vadd.s32 s25, v0;
	s25 =	sadd.s32 $0x1, s25;
	v9 =	vadd.f32 v34, v9;
	v19 =	vld.idx.msk [tilespmem:v32+s21+$0x0], $0xffff  }
0xb7: {  	_ =	sdelay $0x3  }
0xb8: {  	v29 =	vld.idx.msk [tilespmem:v29+s21+$0x0], $0xffff  }
0xb9: {  	v28 =	vld.idx.msk [tilespmem:v28+s21+$0x0], $0xffff  }
0xba: {  	v27 =	vld.idx.msk [tilespmem:v27+s21+$0x0], $0xffff;
	v62 =	vadd.f32 v18, v16  }
0xbb: {  	v23 =	vld.idx.msk [tilespmem:v23+s21+$0x0], $0xffff;
	v22 =	vadd.f32 v22, v26;
	v9 =	vadd.f32 v14, v9  }
0xbc: {  	v24 =	vld.idx.msk [tilespmem:v24+s21+$0x0], $0xffff;
	v17 =	vadd.f32 v17, v25;
	v63 =	vadd.f32 v19, v62  }
0xbd: {  	v15 =	vadd.f32 v15, v20;
	v60 =	vadd.f32 v29, v22;
	[tilespmem:$0xC9E0] =	vst v9  }
0xbe: {  	v8 =	vadd.f32 v8, v11;
	v17 =	vadd.f32 v28, v17;
	[tilespmem:$0xC9D0] =	vst v63  }
0xbf: {  	v12 =	vadd.f32 v12, v21;
	v61 =	vadd.f32 v27, v15;
	[tilespmem:$0xC980] =	vst v60  }
0xc0: {  	v8 =	vadd.f32 v23, v8;
	[tilespmem:$0xC990] =	vst v17  }
0xc1: {  	v12 =	vadd.f32 v24, v12;
	[tilespmem:$0xC9A0] =	vst v61  }
0xc2: {  	s24 =	sadd.s32 $0x1, s24;
	[tilespmem:$0xC9C0] =	vst v8;
	v8 =	vadd.f32 v13, v10  }
0xc3: {  	p0 =	sne.s32 s24, s11;
	[tilespmem:$0xC9B0] =	vst v12  }
.Ltmp4:
0xc4: {  	[tilespmem:$0xC9F0] =	vst v8;
	(pc) =	sbr.rel @p0 .LBB2_1-.Ltmp4, $4  }
0xc5: {  	[hbm4b:s10+s3] =	stream.linear.scatter [tilespmem:s23], [sflag:$0x5], $0x200, $0x38;
	[tilespmem:$0x1BE80] =	vst v63  }
0xc6: {  	_ =	swait.ge [sflag:s15], $0x200  }
0xc7: {  	[sflag:s15] =	ssyncset.done $0x0  }
0xc8: {  	[sflag:s15] =	ssyncadd.s32 $0xFFFFFE00  }
0xc9: {  	_ =	sfence.sel $0x180000  }
0xca: {  	[bflag:$0x0] =	sbarrier.arrive $0xFFFF  }
0xcb: {  	p0 =	sne.s32 s1, $0x0;
	_ =	strace $0x90000047  }
0xcc: {  	s0 =	sadd.s32 @!p0 $0x100000, s0;
	[bflag:$0x2] =	sbarrier.arrive $0xFFFF  }
0xcd: {  	[sflag:s0] =	ssyncadd.tile.s32 @!p0 $0x1;
	_ =	shalt  }
.Lfunc_end2:
_tile_overlayer_lowered:
.L_overlay_start_2:
0xce: {  	(tag) =	ssettag $0x2  }
0xcf: {  	s0 =	rddreg [dreg:$0x0];
	s2 =	stileid.u32  }
0xd0: {  	s1 =	rddreg [dreg:$0x1];
	p0 =	sne.s32 s2, $0x0  }
0xd1: {  	s3 =	rddreg [dreg:$0x2];
	[bflag:$0x3] =	sbarrier.arrive $0xFFFF;
	s2 =	simm.s32 @!p0 $0x1C05  }
0xd2: {  	[timem:s3], [sflag:s2] =	dma.local @!p0 [hbm:s0], s1  }
0xd3: {  	s0 =	simm.s32 @!p0 $0x5  }
0xd4: {  	_ =	swait.ge @!p0 [sflag:s0], s1  }
0xd5: {  	s1 =	ssub.s32 @!p0 $0x0, s1;
	[sflag:s0] =	ssyncset.done @!p0 $0x0  }
0xd6: {  	[sflag:s0] =	ssyncadd.s32 @!p0 s1  }
0xd7: {  	[bflag:$0x3] =	sbarrier.arrive $0xFFFF  }
0xd8: {  	_ =	shalt  }

</sc_bundles>
